<compile_context>
chip_gen: v7x
topology: tpu7x:2x2x1
jax: 0.10.2.dev20260603
libtpu: 0.0.44.dev20260713+nightly
codegen_flags: <defaults>
</compile_context>

<pallas_src>
import functools

import jax
import jax.numpy as jnp
from jax import lax
from jax.experimental import pallas as pl
from jax.experimental.pallas import tpu as pltpu
from jax.experimental.pallas import tpu_sc as plsc

_LANES = 16
_TILE = 128


def kernel(pos, idx):
    batch, atm, dim = pos.shape
    n_idx = idx.shape[0]
    nrow = dim * batch
    pos2 = pos.transpose(2, 0, 1).reshape(nrow, atm)
    idx32 = idx.astype(jnp.int32)

    info = plsc.get_sparse_core_info()
    nc, ns = info.num_cores, info.num_subcores
    nw = nc * ns
    jpw = n_idx // nw
    opw = jpw * nrow
    steps = nrow // _LANES

    mesh = plsc.VectorSubcoreMesh(core_axis_name="c", subcore_axis_name="s")

    @functools.partial(
        pl.kernel,
        mesh=mesh,
        out_type=jax.ShapeDtypeStruct((n_idx * nrow,), jnp.float32),
        compiler_params=pltpu.CompilerParams(needs_layout_passes=False),
        scratch_types=[
            pltpu.VMEM((n_idx,), jnp.int32),
            [pltpu.VMEM((nrow, _TILE), jnp.float32)] * jpw,
            pltpu.VMEM((opw,), jnp.float32),
            [pltpu.SemaphoreType.DMA] * jpw,
        ],
    )
    def gather_cols(pos_hbm, idx_hbm, out_hbm, idx_v, wins, out_v, sems):
        wid = lax.axis_index("s") * nc + lax.axis_index("c")
        pltpu.sync_copy(idx_hbm, idx_v)
        riota = lax.broadcasted_iota(jnp.int32, (_LANES,), 0)
        lanes = []
        copies = []
        for p in range(jpw):
            j = wid * jpw + p
            chunk = pl.multiple_of((j // _LANES) * _LANES, _LANES)
            ivec = idx_v[pl.ds(chunk, _LANES)]
            a = jnp.max(jnp.where(riota == j % _LANES, ivec, 0))
            c0 = pl.multiple_of((a // _TILE) * _TILE, _TILE)
            lanes.append(a % _TILE)
            copies.append(pltpu.async_copy(
                pos_hbm.at[:, pl.ds(c0, _TILE)], wins[p], sems[p]))
        for p in range(jpw):
            copies[p].wait()
            cvec = jnp.full((_LANES,), lanes[p], jnp.int32)
            for t in range(steps):
                out_v[pl.ds(p * nrow + t * _LANES, _LANES)] = plsc.load_gather(
                    wins[p], [riota + t * _LANES, cvec])
        pltpu.sync_copy(out_v, out_hbm.at[pl.ds(wid * opw, opw)])

    out = gather_cols(pos2, idx32)
    return (out.reshape(n_idx, dim, batch)
            .transpose(2, 0, 1)
            .reshape(batch, n_idx * dim))

# --- scband reference (transcript-rebuilt; emitter-appended) ---
"""Pipeline reference for scband-fix-gen-89910845375114 (READ-ONLY COPY).

The authoritative reference and input builder live on the scoring server;
editing this copy changes nothing except your own understanding.
"""

import jax, jax.numpy as jnp
import numpy as np

IDX_LIST = [0, 1562, 3124, 4686, 6248, 7810, 9372, 10934, 12496, 14058, 15620, 17182, 18744, 20306, 21868, 23430, 24992, 26554, 28116, 29678, 31240, 32802, 34364, 35926, 37488, 39050, 40612, 42174, 43736, 45298, 46860, 48422, 49984, 51546, 53108, 54670, 56232, 57794, 59356, 60918, 62480, 64042, 65604, 67166, 68728, 70290, 71852, 73414, 74976, 76538, 78100, 79662, 81224, 82786, 84348, 85910, 87472, 89034, 90596, 92158, 93720, 95282, 96844, 98406]


def setup_inputs(seed: int = 0) -> dict:
    key = jax.random.key(seed)
    pos = jax.random.normal(key, (64, 100000, 3), dtype=jnp.float32)
    idx = jnp.array(IDX_LIST, dtype=jnp.int64)
    return {"pos": pos, "idx": idx}


def reference(pos, idx):
    # fix_msk: scatter-overwrite True into a zero boolean mask at fixed-atom rows
    batch, atm, dim = pos.shape
    # mol[p.pos][:, msk] -> boolean-mask gather, flattens masked elements per batch row
    return pos[:, idx, :].reshape(batch, idx.shape[0] * dim)

if __name__ == "__main__":
    import jax
    _d = setup_inputs()
    print(jax.jit(kernel)(*tuple(_d.values())))

</pallas_src>

<mosaic_0001>
#map = affine_map<(d0, d1) -> (0, 0)>
#map1 = affine_map<(d0, d1) -> (0)>
module attributes {stable_mosaic.version = 14 : i64} {
  func.func @gather_cols(%arg0: i32, %arg1: i32, %arg2: memref<192x100000xf32, #tpu.memory_space<hbm>>, %arg3: memref<64xi32, #tpu.memory_space<hbm>>, %arg4: memref<12288xf32, #tpu.memory_space<hbm>>, %arg5: memref<64xi32, #tpu.memory_space<vmem>>, %arg6: memref<192x128xf32, #tpu.memory_space<vmem>>, %arg7: memref<192x128xf32, #tpu.memory_space<vmem>>, %arg8: memref<384xf32, #tpu.memory_space<vmem>>, %arg9: memref<!tpu.dma_semaphore, #tpu.memory_space<semaphore_mem>>, %arg10: memref<!tpu.dma_semaphore, #tpu.memory_space<semaphore_mem>>) attributes {dimension_semantics = [#tpu.dimension_semantics<core_parallel>, #tpu.dimension_semantics<subcore_parallel>], iteration_bounds = array<i64: 2, 16>, scalar_prefetch = 0 : i64, scratch_operands = 6 : i64, tpu.core_type = #tpu.core_type<sc_vector_subcore>, window_params = [{transform_indices = #map}, {transform_indices = #map1}, {transform_indices = #map1}]} {
    %mul3A = arith.constant 2 : i32
    %mul3A_0 = arith.muli %arg1, %mul3A : i32
    %add3A = arith.addi %mul3A_0, %arg0 : i32
    "tpu.region"() ({
      %run_scoped3A = tpu.sem_alloc : memref<!tpu.dma_semaphore, #tpu.memory_space<semaphore_mem>>
      tpu.enqueue_dma source(%arg3 : memref<64xi32, #tpu.memory_space<hbm>>) target(%arg5 : memref<64xi32, #tpu.memory_space<vmem>>) target_semaphore(%run_scoped3A : memref<!tpu.dma_semaphore, #tpu.memory_space<semaphore_mem>>)
      tpu.wait_dma2 semaphore(%run_scoped3A : memref<!tpu.dma_semaphore, #tpu.memory_space<semaphore_mem>>) src(%arg3 : memref<64xi32, #tpu.memory_space<hbm>>) dst(%arg5 : memref<64xi32, #tpu.memory_space<vmem>>)
      tpu.yield
    }) : () -> ()
    %iota3A = tpu.iota {dimensions = array<i32: 0>} : vector<16xi32>
    %mul3A_1 = arith.constant 2 : i32
    %mul3A_2 = arith.muli %add3A, %mul3A_1 : i32
    %add3A_3 = arith.constant 0 : i32
    %add3A_4 = arith.addi %mul3A_2, %add3A_3 : i32
    %jit3A = arith.constant 16 : i32
    %div3A = arith.divsi %add3A_4, %jit3A : i32
    %sign3A = arith.constant 0 : i32
    %sign3A_5 = arith.cmpi sgt, %add3A_4, %sign3A : i32
    %sign3A_6 = arith.extui %sign3A_5 : i1 to i32
    %sign3A_7 = arith.constant 0 : i32
    %sign3A_8 = arith.cmpi slt, %add3A_4, %sign3A_7 : i32
    %sign3A_9 = arith.extui %sign3A_8 : i1 to i32
    %sign3A_10 = arith.subi %sign3A_6, %sign3A_9 : i32
    %sign3A_11 = arith.constant 0 : i32
    %sign3A_12 = arith.cmpi sgt, %jit3A, %sign3A_11 : i32
    %sign3A_13 = arith.extui %sign3A_12 : i1 to i32
    %sign3A_14 = arith.constant 0 : i32
    %sign3A_15 = arith.cmpi slt, %jit3A, %sign3A_14 : i32
    %sign3A_16 = arith.extui %sign3A_15 : i1 to i32
    %sign3A_17 = arith.subi %sign3A_13, %sign3A_16 : i32
    %ne3A = arith.cmpi ne, %sign3A_10, %sign3A_17 : i32
    %rem3A = arith.remsi %add3A_4, %jit3A : i32
    %ne3A_18 = arith.constant 0 : i32
    %ne3A_19 = arith.cmpi ne, %rem3A, %ne3A_18 : i32
    %and3A = arith.andi %ne3A, %ne3A_19 : i1
    %sub3A = arith.constant 1 : i32
    %sub3A_20 = arith.subi %div3A, %sub3A : i32
    %select_n3A = arith.select %and3A, %sub3A_20, %div3A : i32
    %mul3A_21 = arith.constant 16 : i32
    %mul3A_22 = arith.muli %select_n3A, %mul3A_21 : i32
    %multiple_of3A = tpu.assume_multiple %mul3A_22, 16 : i32
    %get3A = arith.index_cast %multiple_of3A : i32 to index
    %get3A_23 = tpu.vector_load %arg5[%get3A] {strides = array<i32>} : memref<64xi32, #tpu.memory_space<vmem>>, vector<16xi32>,
    %jit3A_24 = arith.constant 16 : i32
    %eq3A = arith.constant 0 : i32
    %eq3A_25 = arith.cmpi eq, %jit3A_24, %eq3A : i32
    %jit3A_26 = arith.constant 1 : i32
    %select_n3A_27 = arith.select %eq3A_25, %jit3A_26, %jit3A_24 : i32
    %rem3A_28 = arith.remsi %add3A_4, %select_n3A_27 : i32
    %ne3A_29 = arith.constant 0 : i32
    %ne3A_30 = arith.cmpi ne, %rem3A_28, %ne3A_29 : i32
    %lt3A = arith.constant 0 : i32
    %lt3A_31 = arith.cmpi slt, %rem3A_28, %lt3A : i32
    %lt3A_32 = arith.constant 0 : i32
    %lt3A_33 = arith.cmpi slt, %select_n3A_27, %lt3A_32 : i32
    %ne3A_34 = arith.xori %lt3A_31, %lt3A_33 : i1
    %and3A_35 = arith.andi %ne3A_34, %ne3A_30 : i1
    %add3A_36 = arith.addi %rem3A_28, %select_n3A_27 : i32
    %select_n3A_37 = arith.select %and3A_35, %add3A_36, %rem3A_28 : i32
    %eq3A_38 = vector.broadcast %select_n3A_37 : i32 to vector<16xi32>
    %eq3A_39 = arith.cmpi eq, %iota3A, %eq3A_38 : vector<16xi32>
    %jit3A_40 = arith.constant 0 : i32
    %broadcast_in_dim3A = vector.broadcast %jit3A_40 : i32 to vector<16xi32>
    %select_n3A_41 = arith.select %eq3A_39, %get3A_23, %broadcast_in_dim3A : vector<16xi1>, vector<16xi32>
    %reduce_max3A = arith.constant true
    %reduce_max3A_42 = vector.broadcast %reduce_max3A : i1 to vector<16xi1>
    %reduce_max3A_43 = arith.constant -2147483648 : i32
    %reduce_max3A_44 = vector.broadcast %reduce_max3A_43 : i32 to vector<16xi32>
    %reduce_max3A_45 = arith.xori %select_n3A_41, %reduce_max3A_44 : vector<16xi32>
    %reduce_max3A_46 = tpu.scan <max>, %reduce_max3A_45 masked %reduce_max3A_42 : vector<16xi32>, vector<16xi1> -> vector<16xi32>
    %reduce_max3A_47 = arith.xori %reduce_max3A_46, %reduce_max3A_44 : vector<16xi32>
    %reduce_max3A_48 = vector.extract %reduce_max3A_47[15] : i32 from vector<16xi32>
    %jit3A_49 = arith.constant 128 : i32
    %div3A_50 = arith.divsi %reduce_max3A_48, %jit3A_49 : i32
    %sign3A_51 = arith.constant 0 : i32
    %sign3A_52 = arith.cmpi sgt, %reduce_max3A_48, %sign3A_51 : i32
    %sign3A_53 = arith.extui %sign3A_52 : i1 to i32
    %sign3A_54 = arith.constant 0 : i32
    %sign3A_55 = arith.cmpi slt, %reduce_max3A_48, %sign3A_54 : i32
    %sign3A_56 = arith.extui %sign3A_55 : i1 to i32
    %sign3A_57 = arith.subi %sign3A_53, %sign3A_56 : i32
    %sign3A_58 = arith.constant 0 : i32
    %sign3A_59 = arith.cmpi sgt, %jit3A_49, %sign3A_58 : i32
    %sign3A_60 = arith.extui %sign3A_59 : i1 to i32
    %sign3A_61 = arith.constant 0 : i32
    %sign3A_62 = arith.cmpi slt, %jit3A_49, %sign3A_61 : i32
    %sign3A_63 = arith.extui %sign3A_62 : i1 to i32
    %sign3A_64 = arith.subi %sign3A_60, %sign3A_63 : i32
    %ne3A_65 = arith.cmpi ne, %sign3A_57, %sign3A_64 : i32
    %rem3A_66 = arith.remsi %reduce_max3A_48, %jit3A_49 : i32
    %ne3A_67 = arith.constant 0 : i32
    %ne3A_68 = arith.cmpi ne, %rem3A_66, %ne3A_67 : i32
    %and3A_69 = arith.andi %ne3A_65, %ne3A_68 : i1
    %sub3A_70 = arith.constant 1 : i32
    %sub3A_71 = arith.subi %div3A_50, %sub3A_70 : i32
    %select_n3A_72 = arith.select %and3A_69, %sub3A_71, %div3A_50 : i32
    %mul3A_73 = arith.constant 128 : i32
    %mul3A_74 = arith.muli %select_n3A_72, %mul3A_73 : i32
    %multiple_of3A_75 = tpu.assume_multiple %mul3A_74, 128 : i32
    %jit3A_76 = arith.constant 128 : i32
    %eq3A_77 = arith.constant 0 : i32
    %eq3A_78 = arith.cmpi eq, %jit3A_76, %eq3A_77 : i32
    %jit3A_79 = arith.constant 1 : i32
    %select_n3A_80 = arith.select %eq3A_78, %jit3A_79, %jit3A_76 : i32
    %rem3A_81 = arith.remsi %reduce_max3A_48, %select_n3A_80 : i32
    %ne3A_82 = arith.constant 0 : i32
    %ne3A_83 = arith.cmpi ne, %rem3A_81, %ne3A_82 : i32
    %lt3A_84 = arith.constant 0 : i32
    %lt3A_85 = arith.cmpi slt, %rem3A_81, %lt3A_84 : i32
    %lt3A_86 = arith.constant 0 : i32
    %lt3A_87 = arith.cmpi slt, %select_n3A_80, %lt3A_86 : i32
    %ne3A_88 = arith.xori %lt3A_85, %lt3A_87 : i1
    %and3A_89 = arith.andi %ne3A_88, %ne3A_83 : i1
    %add3A_90 = arith.addi %rem3A_81, %select_n3A_80 : i32
    %select_n3A_91 = arith.select %and3A_89, %add3A_90, %rem3A_81 : i32
    %dma_start3A = arith.constant 0 : i32
    %dma_start3A_92 = tpu.memref_slice %arg2[%dma_start3A, %multiple_of3A_75] : memref<192x100000xf32, #tpu.memory_space<hbm>> -> memref<192x128xf32, #tpu.memory_space<hbm>>
    %dma_start3A_93 = arith.constant 0 : i32
    %dma_start3A_94 = tpu.memref_slice %arg2[%dma_start3A_93, %multiple_of3A_75] : memref<192x100000xf32, #tpu.memory_space<hbm>> -> memref<192x128xf32, #tpu.memory_space<hbm>>
    tpu.enqueue_dma source(%dma_start3A_94 : memref<192x128xf32, #tpu.memory_space<hbm>>) target(%arg6 : memref<192x128xf32, #tpu.memory_space<vmem>>) target_semaphore(%arg9 : memref<!tpu.dma_semaphore, #tpu.memory_space<semaphore_mem>>)
    %mul3A_95 = arith.constant 2 : i32
    %mul3A_96 = arith.muli %add3A, %mul3A_95 : i32
    %add3A_97 = arith.constant 1 : i32
    %add3A_98 = arith.addi %mul3A_96, %add3A_97 : i32
    %jit3A_99 = arith.constant 16 : i32
    %div3A_100 = arith.divsi %add3A_98, %jit3A_99 : i32
    %sign3A_101 = arith.constant 0 : i32
    %sign3A_102 = arith.cmpi sgt, %add3A_98, %sign3A_101 : i32
    %sign3A_103 = arith.extui %sign3A_102 : i1 to i32
    %sign3A_104 = arith.constant 0 : i32
    %sign3A_105 = arith.cmpi slt, %add3A_98, %sign3A_104 : i32
    %sign3A_106 = arith.extui %sign3A_105 : i1 to i32
    %sign3A_107 = arith.subi %sign3A_103, %sign3A_106 : i32
    %sign3A_108 = arith.constant 0 : i32
    %sign3A_109 = arith.cmpi sgt, %jit3A_99, %sign3A_108 : i32
    %sign3A_110 = arith.extui %sign3A_109 : i1 to i32
    %sign3A_111 = arith.constant 0 : i32
    %sign3A_112 = arith.cmpi slt, %jit3A_99, %sign3A_111 : i32
    %sign3A_113 = arith.extui %sign3A_112 : i1 to i32
    %sign3A_114 = arith.subi %sign3A_110, %sign3A_113 : i32
    %ne3A_115 = arith.cmpi ne, %sign3A_107, %sign3A_114 : i32
    %rem3A_116 = arith.remsi %add3A_98, %jit3A_99 : i32
    %ne3A_117 = arith.constant 0 : i32
    %ne3A_118 = arith.cmpi ne, %rem3A_116, %ne3A_117 : i32
    %and3A_119 = arith.andi %ne3A_115, %ne3A_118 : i1
    %sub3A_120 = arith.constant 1 : i32
    %sub3A_121 = arith.subi %div3A_100, %sub3A_120 : i32
    %select_n3A_122 = arith.select %and3A_119, %sub3A_121, %div3A_100 : i32
    %mul3A_123 = arith.constant 16 : i32
    %mul3A_124 = arith.muli %select_n3A_122, %mul3A_123 : i32
    %multiple_of3A_125 = tpu.assume_multiple %mul3A_124, 16 : i32
    %get3A_126 = arith.index_cast %multiple_of3A_125 : i32 to index
    %get3A_127 = tpu.vector_load %arg5[%get3A_126] {strides = array<i32>} : memref<64xi32, #tpu.memory_space<vmem>>, vector<16xi32>,
    %jit3A_128 = arith.constant 16 : i32
    %eq3A_129 = arith.constant 0 : i32
    %eq3A_130 = arith.cmpi eq, %jit3A_128, %eq3A_129 : i32
    %jit3A_131 = arith.constant 1 : i32
    %select_n3A_132 = arith.select %eq3A_130, %jit3A_131, %jit3A_128 : i32
    %rem3A_133 = arith.remsi %add3A_98, %select_n3A_132 : i32
    %ne3A_134 = arith.constant 0 : i32
    %ne3A_135 = arith.cmpi ne, %rem3A_133, %ne3A_134 : i32
    %lt3A_136 = arith.constant 0 : i32
    %lt3A_137 = arith.cmpi slt, %rem3A_133, %lt3A_136 : i32
    %lt3A_138 = arith.constant 0 : i32
    %lt3A_139 = arith.cmpi slt, %select_n3A_132, %lt3A_138 : i32
    %ne3A_140 = arith.xori %lt3A_137, %lt3A_139 : i1
    %and3A_141 = arith.andi %ne3A_140, %ne3A_135 : i1
    %add3A_142 = arith.addi %rem3A_133, %select_n3A_132 : i32
    %select_n3A_143 = arith.select %and3A_141, %add3A_142, %rem3A_133 : i32
    %eq3A_144 = vector.broadcast %select_n3A_143 : i32 to vector<16xi32>
    %eq3A_145 = arith.cmpi eq, %iota3A, %eq3A_144 : vector<16xi32>
    %jit3A_146 = arith.constant 0 : i32
    %broadcast_in_dim3A_147 = vector.broadcast %jit3A_146 : i32 to vector<16xi32>
    %select_n3A_148 = arith.select %eq3A_145, %get3A_127, %broadcast_in_dim3A_147 : vector<16xi1>, vector<16xi32>
    %reduce_max3A_149 = arith.constant true
    %reduce_max3A_150 = vector.broadcast %reduce_max3A_149 : i1 to vector<16xi1>
    %reduce_max3A_151 = arith.constant -2147483648 : i32
    %reduce_max3A_152 = vector.broadcast %reduce_max3A_151 : i32 to vector<16xi32>
    %reduce_max3A_153 = arith.xori %select_n3A_148, %reduce_max3A_152 : vector<16xi32>
    %reduce_max3A_154 = tpu.scan <max>, %reduce_max3A_153 masked %reduce_max3A_150 : vector<16xi32>, vector<16xi1> -> vector<16xi32>
    %reduce_max3A_155 = arith.xori %reduce_max3A_154, %reduce_max3A_152 : vector<16xi32>
    %reduce_max3A_156 = vector.extract %reduce_max3A_155[15] : i32 from vector<16xi32>
    %jit3A_157 = arith.constant 128 : i32
    %div3A_158 = arith.divsi %reduce_max3A_156, %jit3A_157 : i32
    %sign3A_159 = arith.constant 0 : i32
    %sign3A_160 = arith.cmpi sgt, %reduce_max3A_156, %sign3A_159 : i32
    %sign3A_161 = arith.extui %sign3A_160 : i1 to i32
    %sign3A_162 = arith.constant 0 : i32
    %sign3A_163 = arith.cmpi slt, %reduce_max3A_156, %sign3A_162 : i32
    %sign3A_164 = arith.extui %sign3A_163 : i1 to i32
    %sign3A_165 = arith.subi %sign3A_161, %sign3A_164 : i32
    %sign3A_166 = arith.constant 0 : i32
    %sign3A_167 = arith.cmpi sgt, %jit3A_157, %sign3A_166 : i32
    %sign3A_168 = arith.extui %sign3A_167 : i1 to i32
    %sign3A_169 = arith.constant 0 : i32
    %sign3A_170 = arith.cmpi slt, %jit3A_157, %sign3A_169 : i32
    %sign3A_171 = arith.extui %sign3A_170 : i1 to i32
    %sign3A_172 = arith.subi %sign3A_168, %sign3A_171 : i32
    %ne3A_173 = arith.cmpi ne, %sign3A_165, %sign3A_172 : i32
    %rem3A_174 = arith.remsi %reduce_max3A_156, %jit3A_157 : i32
    %ne3A_175 = arith.constant 0 : i32
    %ne3A_176 = arith.cmpi ne, %rem3A_174, %ne3A_175 : i32
    %and3A_177 = arith.andi %ne3A_173, %ne3A_176 : i1
    %sub3A_178 = arith.constant 1 : i32
    %sub3A_179 = arith.subi %div3A_158, %sub3A_178 : i32
    %select_n3A_180 = arith.select %and3A_177, %sub3A_179, %div3A_158 : i32
    %mul3A_181 = arith.constant 128 : i32
    %mul3A_182 = arith.muli %select_n3A_180, %mul3A_181 : i32
    %multiple_of3A_183 = tpu.assume_multiple %mul3A_182, 128 : i32
    %jit3A_184 = arith.constant 128 : i32
    %eq3A_185 = arith.constant 0 : i32
    %eq3A_186 = arith.cmpi eq, %jit3A_184, %eq3A_185 : i32
    %jit3A_187 = arith.constant 1 : i32
    %select_n3A_188 = arith.select %eq3A_186, %jit3A_187, %jit3A_184 : i32
    %rem3A_189 = arith.remsi %reduce_max3A_156, %select_n3A_188 : i32
    %ne3A_190 = arith.constant 0 : i32
    %ne3A_191 = arith.cmpi ne, %rem3A_189, %ne3A_190 : i32
    %lt3A_192 = arith.constant 0 : i32
    %lt3A_193 = arith.cmpi slt, %rem3A_189, %lt3A_192 : i32
    %lt3A_194 = arith.constant 0 : i32
    %lt3A_195 = arith.cmpi slt, %select_n3A_188, %lt3A_194 : i32
    %ne3A_196 = arith.xori %lt3A_193, %lt3A_195 : i1
    %and3A_197 = arith.andi %ne3A_196, %ne3A_191 : i1
    %add3A_198 = arith.addi %rem3A_189, %select_n3A_188 : i32
    %select_n3A_199 = arith.select %and3A_197, %add3A_198, %rem3A_189 : i32
    %dma_start3A_200 = arith.constant 0 : i32
    %dma_start3A_201 = tpu.memref_slice %arg2[%dma_start3A_200, %multiple_of3A_183] : memref<192x100000xf32, #tpu.memory_space<hbm>> -> memref<192x128xf32, #tpu.memory_space<hbm>>
    %dma_start3A_202 = arith.constant 0 : i32
    %dma_start3A_203 = tpu.memref_slice %arg2[%dma_start3A_202, %multiple_of3A_183] : memref<192x100000xf32, #tpu.memory_space<hbm>> -> memref<192x128xf32, #tpu.memory_space<hbm>>
    tpu.enqueue_dma source(%dma_start3A_203 : memref<192x128xf32, #tpu.memory_space<hbm>>) target(%arg7 : memref<192x128xf32, #tpu.memory_space<vmem>>) target_semaphore(%arg10 : memref<!tpu.dma_semaphore, #tpu.memory_space<semaphore_mem>>)
    %dma_wait3A = arith.constant 0 : i32
    %dma_wait3A_204 = tpu.memref_slice %arg2[%dma_wait3A, %multiple_of3A_75] : memref<192x100000xf32, #tpu.memory_space<hbm>> -> memref<192x128xf32, #tpu.memory_space<hbm>>
    %dma_wait3A_205 = arith.constant 0 : i32
    %dma_wait3A_206 = tpu.memref_slice %arg2[%dma_wait3A_205, %multiple_of3A_75] : memref<192x100000xf32, #tpu.memory_space<hbm>> -> memref<192x128xf32, #tpu.memory_space<hbm>>
    tpu.wait_dma2 semaphore(%arg9 : memref<!tpu.dma_semaphore, #tpu.memory_space<semaphore_mem>>) src(%dma_wait3A_206 : memref<192x128xf32, #tpu.memory_space<hbm>>) dst(%arg6 : memref<192x128xf32, #tpu.memory_space<vmem>>)
    %broadcast_in_dim3A_207 = vector.broadcast %select_n3A_91 : i32 to vector<16xi32>
    %add3A_208 = arith.constant 0 : i32
    %add3A_209 = vector.broadcast %add3A_208 : i32 to vector<16xi32>
    %add3A_210 = arith.addi %iota3A, %add3A_209 : vector<16xi32>
    %gather3A = tpu.vector_load_idx %arg6[%add3A_210, %broadcast_in_dim3A_207] : memref<192x128xf32, #tpu.memory_space<vmem>>[vector<16xi32>, vector<16xi32>], vector<16xf32>,
    %swap3A = arith.constant 0 : index
    %swap3A_211 = tpu.vector_load %arg8[%swap3A] {strides = array<i32>} : memref<384xf32, #tpu.memory_space<vmem>>, vector<16xf32>,
    tpu.vector_store %arg8[%swap3A], %gather3A {strides = array<i32>} : memref<384xf32, #tpu.memory_space<vmem>>, vector<16xf32>,
    %add3A_212 = arith.constant 16 : i32
    %add3A_213 = vector.broadcast %add3A_212 : i32 to vector<16xi32>
    %add3A_214 = arith.addi %iota3A, %add3A_213 : vector<16xi32>
    %gather3A_215 = tpu.vector_load_idx %arg6[%add3A_214, %broadcast_in_dim3A_207] : memref<192x128xf32, #tpu.memory_space<vmem>>[vector<16xi32>, vector<16xi32>], vector<16xf32>,
    %swap3A_216 = arith.constant 16 : index
    %swap3A_217 = tpu.vector_load %arg8[%swap3A_216] {strides = array<i32>} : memref<384xf32, #tpu.memory_space<vmem>>, vector<16xf32>,
    tpu.vector_store %arg8[%swap3A_216], %gather3A_215 {strides = array<i32>} : memref<384xf32, #tpu.memory_space<vmem>>, vector<16xf32>,
    %add3A_218 = arith.constant 32 : i32
    %add3A_219 = vector.broadcast %add3A_218 : i32 to vector<16xi32>
    %add3A_220 = arith.addi %iota3A, %add3A_219 : vector<16xi32>
    %gather3A_221 = tpu.vector_load_idx %arg6[%add3A_220, %broadcast_in_dim3A_207] : memref<192x128xf32, #tpu.memory_space<vmem>>[vector<16xi32>, vector<16xi32>], vector<16xf32>,
    %swap3A_222 = arith.constant 32 : index
    %swap3A_223 = tpu.vector_load %arg8[%swap3A_222] {strides = array<i32>} : memref<384xf32, #tpu.memory_space<vmem>>, vector<16xf32>,
    tpu.vector_store %arg8[%swap3A_222], %gather3A_221 {strides = array<i32>} : memref<384xf32, #tpu.memory_space<vmem>>, vector<16xf32>,
    %add3A_224 = arith.constant 48 : i32
    %add3A_225 = vector.broadcast %add3A_224 : i32 to vector<16xi32>
    %add3A_226 = arith.addi %iota3A, %add3A_225 : vector<16xi32>
    %gather3A_227 = tpu.vector_load_idx %arg6[%add3A_226, %broadcast_in_dim3A_207] : memref<192x128xf32, #tpu.memory_space<vmem>>[vector<16xi32>, vector<16xi32>], vector<16xf32>,
    %swap3A_228 = arith.constant 48 : index
    %swap3A_229 = tpu.vector_load %arg8[%swap3A_228] {strides = array<i32>} : memref<384xf32, #tpu.memory_space<vmem>>, vector<16xf32>,
    tpu.vector_store %arg8[%swap3A_228], %gather3A_227 {strides = array<i32>} : memref<384xf32, #tpu.memory_space<vmem>>, vector<16xf32>,
    %add3A_230 = arith.constant 64 : i32
    %add3A_231 = vector.broadcast %add3A_230 : i32 to vector<16xi32>
    %add3A_232 = arith.addi %iota3A, %add3A_231 : vector<16xi32>
    %gather3A_233 = tpu.vector_load_idx %arg6[%add3A_232, %broadcast_in_dim3A_207] : memref<192x128xf32, #tpu.memory_space<vmem>>[vector<16xi32>, vector<16xi32>], vector<16xf32>,
    %swap3A_234 = arith.constant 64 : index
    %swap3A_235 = tpu.vector_load %arg8[%swap3A_234] {strides = array<i32>} : memref<384xf32, #tpu.memory_space<vmem>>, vector<16xf32>,
    tpu.vector_store %arg8[%swap3A_234], %gather3A_233 {strides = array<i32>} : memref<384xf32, #tpu.memory_space<vmem>>, vector<16xf32>,
    %add3A_236 = arith.constant 80 : i32
    %add3A_237 = vector.broadcast %add3A_236 : i32 to vector<16xi32>
    %add3A_238 = arith.addi %iota3A, %add3A_237 : vector<16xi32>
    %gather3A_239 = tpu.vector_load_idx %arg6[%add3A_238, %broadcast_in_dim3A_207] : memref<192x128xf32, #tpu.memory_space<vmem>>[vector<16xi32>, vector<16xi32>], vector<16xf32>,
    %swap3A_240 = arith.constant 80 : index
    %swap3A_241 = tpu.vector_load %arg8[%swap3A_240] {strides = array<i32>} : memref<384xf32, #tpu.memory_space<vmem>>, vector<16xf32>,
    tpu.vector_store %arg8[%swap3A_240], %gather3A_239 {strides = array<i32>} : memref<384xf32, #tpu.memory_space<vmem>>, vector<16xf32>,
    %add3A_242 = arith.constant 96 : i32
    %add3A_243 = vector.broadcast %add3A_242 : i32 to vector<16xi32>
    %add3A_244 = arith.addi %iota3A, %add3A_243 : vector<16xi32>
    %gather3A_245 = tpu.vector_load_idx %arg6[%add3A_244, %broadcast_in_dim3A_207] : memref<192x128xf32, #tpu.memory_space<vmem>>[vector<16xi32>, vector<16xi32>], vector<16xf32>,
    %swap3A_246 = arith.constant 96 : index
    %swap3A_247 = tpu.vector_load %arg8[%swap3A_246] {strides = array<i32>} : memref<384xf32, #tpu.memory_space<vmem>>, vector<16xf32>,
    tpu.vector_store %arg8[%swap3A_246], %gather3A_245 {strides = array<i32>} : memref<384xf32, #tpu.memory_space<vmem>>, vector<16xf32>,
    %add3A_248 = arith.constant 112 : i32
    %add3A_249 = vector.broadcast %add3A_248 : i32 to vector<16xi32>
    %add3A_250 = arith.addi %iota3A, %add3A_249 : vector<16xi32>
    %gather3A_251 = tpu.vector_load_idx %arg6[%add3A_250, %broadcast_in_dim3A_207] : memref<192x128xf32, #tpu.memory_space<vmem>>[vector<16xi32>, vector<16xi32>], vector<16xf32>,
    %swap3A_252 = arith.constant 112 : index
    %swap3A_253 = tpu.vector_load %arg8[%swap3A_252] {strides = array<i32>} : memref<384xf32, #tpu.memory_space<vmem>>, vector<16xf32>,
    tpu.vector_store %arg8[%swap3A_252], %gather3A_251 {strides = array<i32>} : memref<384xf32, #tpu.memory_space<vmem>>, vector<16xf32>,
    %add3A_254 = arith.constant 128 : i32
    %add3A_255 = vector.broadcast %add3A_254 : i32 to vector<16xi32>
    %add3A_256 = arith.addi %iota3A, %add3A_255 : vector<16xi32>
    %gather3A_257 = tpu.vector_load_idx %arg6[%add3A_256, %broadcast_in_dim3A_207] : memref<192x128xf32, #tpu.memory_space<vmem>>[vector<16xi32>, vector<16xi32>], vector<16xf32>,
    %swap3A_258 = arith.constant 128 : index
    %swap3A_259 = tpu.vector_load %arg8[%swap3A_258] {strides = array<i32>} : memref<384xf32, #tpu.memory_space<vmem>>, vector<16xf32>,
    tpu.vector_store %arg8[%swap3A_258], %gather3A_257 {strides = array<i32>} : memref<384xf32, #tpu.memory_space<vmem>>, vector<16xf32>,
    %add3A_260 = arith.constant 144 : i32
    %add3A_261 = vector.broadcast %add3A_260 : i32 to vector<16xi32>
    %add3A_262 = arith.addi %iota3A, %add3A_261 : vector<16xi32>
    %gather3A_263 = tpu.vector_load_idx %arg6[%add3A_262, %broadcast_in_dim3A_207] : memref<192x128xf32, #tpu.memory_space<vmem>>[vector<16xi32>, vector<16xi32>], vector<16xf32>,
    %swap3A_264 = arith.constant 144 : index
    %swap3A_265 = tpu.vector_load %arg8[%swap3A_264] {strides = array<i32>} : memref<384xf32, #tpu.memory_space<vmem>>, vector<16xf32>,
    tpu.vector_store %arg8[%swap3A_264], %gather3A_263 {strides = array<i32>} : memref<384xf32, #tpu.memory_space<vmem>>, vector<16xf32>,
    %add3A_266 = arith.constant 160 : i32
    %add3A_267 = vector.broadcast %add3A_266 : i32 to vector<16xi32>
    %add3A_268 = arith.addi %iota3A, %add3A_267 : vector<16xi32>
    %gather3A_269 = tpu.vector_load_idx %arg6[%add3A_268, %broadcast_in_dim3A_207] : memref<192x128xf32, #tpu.memory_space<vmem>>[vector<16xi32>, vector<16xi32>], vector<16xf32>,
    %swap3A_270 = arith.constant 160 : index
    %swap3A_271 = tpu.vector_load %arg8[%swap3A_270] {strides = array<i32>} : memref<384xf32, #tpu.memory_space<vmem>>, vector<16xf32>,
    tpu.vector_store %arg8[%swap3A_270], %gather3A_269 {strides = array<i32>} : memref<384xf32, #tpu.memory_space<vmem>>, vector<16xf32>,
    %add3A_272 = arith.constant 176 : i32
    %add3A_273 = vector.broadcast %add3A_272 : i32 to vector<16xi32>
    %add3A_274 = arith.addi %iota3A, %add3A_273 : vector<16xi32>
    %gather3A_275 = tpu.vector_load_idx %arg6[%add3A_274, %broadcast_in_dim3A_207] : memref<192x128xf32, #tpu.memory_space<vmem>>[vector<16xi32>, vector<16xi32>], vector<16xf32>,
    %swap3A_276 = arith.constant 176 : index
    %swap3A_277 = tpu.vector_load %arg8[%swap3A_276] {strides = array<i32>} : memref<384xf32, #tpu.memory_space<vmem>>, vector<16xf32>,
    tpu.vector_store %arg8[%swap3A_276], %gather3A_275 {strides = array<i32>} : memref<384xf32, #tpu.memory_space<vmem>>, vector<16xf32>,
    %dma_wait3A_278 = arith.constant 0 : i32
    %dma_wait3A_279 = tpu.memref_slice %arg2[%dma_wait3A_278, %multiple_of3A_183] : memref<192x100000xf32, #tpu.memory_space<hbm>> -> memref<192x128xf32, #tpu.memory_space<hbm>>
    %dma_wait3A_280 = arith.constant 0 : i32
    %dma_wait3A_281 = tpu.memref_slice %arg2[%dma_wait3A_280, %multiple_of3A_183] : memref<192x100000xf32, #tpu.memory_space<hbm>> -> memref<192x128xf32, #tpu.memory_space<hbm>>
    tpu.wait_dma2 semaphore(%arg10 : memref<!tpu.dma_semaphore, #tpu.memory_space<semaphore_mem>>) src(%dma_wait3A_281 : memref<192x128xf32, #tpu.memory_space<hbm>>) dst(%arg7 : memref<192x128xf32, #tpu.memory_space<vmem>>)
    %broadcast_in_dim3A_282 = vector.broadcast %select_n3A_199 : i32 to vector<16xi32>
    %add3A_283 = arith.constant 0 : i32
    %add3A_284 = vector.broadcast %add3A_283 : i32 to vector<16xi32>
    %add3A_285 = arith.addi %iota3A, %add3A_284 : vector<16xi32>
    %gather3A_286 = tpu.vector_load_idx %arg7[%add3A_285, %broadcast_in_dim3A_282] : memref<192x128xf32, #tpu.memory_space<vmem>>[vector<16xi32>, vector<16xi32>], vector<16xf32>,
    %swap3A_287 = arith.constant 192 : index
    %swap3A_288 = tpu.vector_load %arg8[%swap3A_287] {strides = array<i32>} : memref<384xf32, #tpu.memory_space<vmem>>, vector<16xf32>,
    tpu.vector_store %arg8[%swap3A_287], %gather3A_286 {strides = array<i32>} : memref<384xf32, #tpu.memory_space<vmem>>, vector<16xf32>,
    %add3A_289 = arith.constant 16 : i32
    %add3A_290 = vector.broadcast %add3A_289 : i32 to vector<16xi32>
    %add3A_291 = arith.addi %iota3A, %add3A_290 : vector<16xi32>
    %gather3A_292 = tpu.vector_load_idx %arg7[%add3A_291, %broadcast_in_dim3A_282] : memref<192x128xf32, #tpu.memory_space<vmem>>[vector<16xi32>, vector<16xi32>], vector<16xf32>,
    %swap3A_293 = arith.constant 208 : index
    %swap3A_294 = tpu.vector_load %arg8[%swap3A_293] {strides = array<i32>} : memref<384xf32, #tpu.memory_space<vmem>>, vector<16xf32>,
    tpu.vector_store %arg8[%swap3A_293], %gather3A_292 {strides = array<i32>} : memref<384xf32, #tpu.memory_space<vmem>>, vector<16xf32>,
    %add3A_295 = arith.constant 32 : i32
    %add3A_296 = vector.broadcast %add3A_295 : i32 to vector<16xi32>
    %add3A_297 = arith.addi %iota3A, %add3A_296 : vector<16xi32>
    %gather3A_298 = tpu.vector_load_idx %arg7[%add3A_297, %broadcast_in_dim3A_282] : memref<192x128xf32, #tpu.memory_space<vmem>>[vector<16xi32>, vector<16xi32>], vector<16xf32>,
    %swap3A_299 = arith.constant 224 : index
    %swap3A_300 = tpu.vector_load %arg8[%swap3A_299] {strides = array<i32>} : memref<384xf32, #tpu.memory_space<vmem>>, vector<16xf32>,
    tpu.vector_store %arg8[%swap3A_299], %gather3A_298 {strides = array<i32>} : memref<384xf32, #tpu.memory_space<vmem>>, vector<16xf32>,
    %add3A_301 = arith.constant 48 : i32
    %add3A_302 = vector.broadcast %add3A_301 : i32 to vector<16xi32>
    %add3A_303 = arith.addi %iota3A, %add3A_302 : vector<16xi32>
    %gather3A_304 = tpu.vector_load_idx %arg7[%add3A_303, %broadcast_in_dim3A_282] : memref<192x128xf32, #tpu.memory_space<vmem>>[vector<16xi32>, vector<16xi32>], vector<16xf32>,
    %swap3A_305 = arith.constant 240 : index
    %swap3A_306 = tpu.vector_load %arg8[%swap3A_305] {strides = array<i32>} : memref<384xf32, #tpu.memory_space<vmem>>, vector<16xf32>,
    tpu.vector_store %arg8[%swap3A_305], %gather3A_304 {strides = array<i32>} : memref<384xf32, #tpu.memory_space<vmem>>, vector<16xf32>,
    %add3A_307 = arith.constant 64 : i32
    %add3A_308 = vector.broadcast %add3A_307 : i32 to vector<16xi32>
    %add3A_309 = arith.addi %iota3A, %add3A_308 : vector<16xi32>
    %gather3A_310 = tpu.vector_load_idx %arg7[%add3A_309, %broadcast_in_dim3A_282] : memref<192x128xf32, #tpu.memory_space<vmem>>[vector<16xi32>, vector<16xi32>], vector<16xf32>,
    %swap3A_311 = arith.constant 256 : index
    %swap3A_312 = tpu.vector_load %arg8[%swap3A_311] {strides = array<i32>} : memref<384xf32, #tpu.memory_space<vmem>>, vector<16xf32>,
    tpu.vector_store %arg8[%swap3A_311], %gather3A_310 {strides = array<i32>} : memref<384xf32, #tpu.memory_space<vmem>>, vector<16xf32>,
    %add3A_313 = arith.constant 80 : i32
    %add3A_314 = vector.broadcast %add3A_313 : i32 to vector<16xi32>
    %add3A_315 = arith.addi %iota3A, %add3A_314 : vector<16xi32>
    %gather3A_316 = tpu.vector_load_idx %arg7[%add3A_315, %broadcast_in_dim3A_282] : memref<192x128xf32, #tpu.memory_space<vmem>>[vector<16xi32>, vector<16xi32>], vector<16xf32>,
    %swap3A_317 = arith.constant 272 : index
    %swap3A_318 = tpu.vector_load %arg8[%swap3A_317] {strides = array<i32>} : memref<384xf32, #tpu.memory_space<vmem>>, vector<16xf32>,
    tpu.vector_store %arg8[%swap3A_317], %gather3A_316 {strides = array<i32>} : memref<384xf32, #tpu.memory_space<vmem>>, vector<16xf32>,
    %add3A_319 = arith.constant 96 : i32
    %add3A_320 = vector.broadcast %add3A_319 : i32 to vector<16xi32>
    %add3A_321 = arith.addi %iota3A, %add3A_320 : vector<16xi32>
    %gather3A_322 = tpu.vector_load_idx %arg7[%add3A_321, %broadcast_in_dim3A_282] : memref<192x128xf32, #tpu.memory_space<vmem>>[vector<16xi32>, vector<16xi32>], vector<16xf32>,
    %swap3A_323 = arith.constant 288 : index
    %swap3A_324 = tpu.vector_load %arg8[%swap3A_323] {strides = array<i32>} : memref<384xf32, #tpu.memory_space<vmem>>, vector<16xf32>,
    tpu.vector_store %arg8[%swap3A_323], %gather3A_322 {strides = array<i32>} : memref<384xf32, #tpu.memory_space<vmem>>, vector<16xf32>,
    %add3A_325 = arith.constant 112 : i32
    %add3A_326 = vector.broadcast %add3A_325 : i32 to vector<16xi32>
    %add3A_327 = arith.addi %iota3A, %add3A_326 : vector<16xi32>
    %gather3A_328 = tpu.vector_load_idx %arg7[%add3A_327, %broadcast_in_dim3A_282] : memref<192x128xf32, #tpu.memory_space<vmem>>[vector<16xi32>, vector<16xi32>], vector<16xf32>,
    %swap3A_329 = arith.constant 304 : index
    %swap3A_330 = tpu.vector_load %arg8[%swap3A_329] {strides = array<i32>} : memref<384xf32, #tpu.memory_space<vmem>>, vector<16xf32>,
    tpu.vector_store %arg8[%swap3A_329], %gather3A_328 {strides = array<i32>} : memref<384xf32, #tpu.memory_space<vmem>>, vector<16xf32>,
    %add3A_331 = arith.constant 128 : i32
    %add3A_332 = vector.broadcast %add3A_331 : i32 to vector<16xi32>
    %add3A_333 = arith.addi %iota3A, %add3A_332 : vector<16xi32>
    %gather3A_334 = tpu.vector_load_idx %arg7[%add3A_333, %broadcast_in_dim3A_282] : memref<192x128xf32, #tpu.memory_space<vmem>>[vector<16xi32>, vector<16xi32>], vector<16xf32>,
    %swap3A_335 = arith.constant 320 : index
    %swap3A_336 = tpu.vector_load %arg8[%swap3A_335] {strides = array<i32>} : memref<384xf32, #tpu.memory_space<vmem>>, vector<16xf32>,
    tpu.vector_store %arg8[%swap3A_335], %gather3A_334 {strides = array<i32>} : memref<384xf32, #tpu.memory_space<vmem>>, vector<16xf32>,
    %add3A_337 = arith.constant 144 : i32
    %add3A_338 = vector.broadcast %add3A_337 : i32 to vector<16xi32>
    %add3A_339 = arith.addi %iota3A, %add3A_338 : vector<16xi32>
    %gather3A_340 = tpu.vector_load_idx %arg7[%add3A_339, %broadcast_in_dim3A_282] : memref<192x128xf32, #tpu.memory_space<vmem>>[vector<16xi32>, vector<16xi32>], vector<16xf32>,
    %swap3A_341 = arith.constant 336 : index
    %swap3A_342 = tpu.vector_load %arg8[%swap3A_341] {strides = array<i32>} : memref<384xf32, #tpu.memory_space<vmem>>, vector<16xf32>,
    tpu.vector_store %arg8[%swap3A_341], %gather3A_340 {strides = array<i32>} : memref<384xf32, #tpu.memory_space<vmem>>, vector<16xf32>,
    %add3A_343 = arith.constant 160 : i32
    %add3A_344 = vector.broadcast %add3A_343 : i32 to vector<16xi32>
    %add3A_345 = arith.addi %iota3A, %add3A_344 : vector<16xi32>
    %gather3A_346 = tpu.vector_load_idx %arg7[%add3A_345, %broadcast_in_dim3A_282] : memref<192x128xf32, #tpu.memory_space<vmem>>[vector<16xi32>, vector<16xi32>], vector<16xf32>,
    %swap3A_347 = arith.constant 352 : index
    %swap3A_348 = tpu.vector_load %arg8[%swap3A_347] {strides = array<i32>} : memref<384xf32, #tpu.memory_space<vmem>>, vector<16xf32>,
    tpu.vector_store %arg8[%swap3A_347], %gather3A_346 {strides = array<i32>} : memref<384xf32, #tpu.memory_space<vmem>>, vector<16xf32>,
    %add3A_349 = arith.constant 176 : i32
    %add3A_350 = vector.broadcast %add3A_349 : i32 to vector<16xi32>
    %add3A_351 = arith.addi %iota3A, %add3A_350 : vector<16xi32>
    %gather3A_352 = tpu.vector_load_idx %arg7[%add3A_351, %broadcast_in_dim3A_282] : memref<192x128xf32, #tpu.memory_space<vmem>>[vector<16xi32>, vector<16xi32>], vector<16xf32>,
    %swap3A_353 = arith.constant 368 : index
    %swap3A_354 = tpu.vector_load %arg8[%swap3A_353] {strides = array<i32>} : memref<384xf32, #tpu.memory_space<vmem>>, vector<16xf32>,
    tpu.vector_store %arg8[%swap3A_353], %gather3A_352 {strides = array<i32>} : memref<384xf32, #tpu.memory_space<vmem>>, vector<16xf32>,
    %mul3A_355 = arith.constant 384 : i32
    %mul3A_356 = arith.muli %add3A, %mul3A_355 : i32
    "tpu.region"() ({
      %run_scoped3A = tpu.sem_alloc : memref<!tpu.dma_semaphore, #tpu.memory_space<semaphore_mem>>
      %dma_start3A_357 = tpu.memref_slice %arg4[%mul3A_356] : memref<12288xf32, #tpu.memory_space<hbm>> -> memref<384xf32, #tpu.memory_space<hbm>>
      %dma_start3A_358 = tpu.memref_slice %arg4[%mul3A_356] : memref<12288xf32, #tpu.memory_space<hbm>> -> memref<384xf32, #tpu.memory_space<hbm>>
      tpu.enqueue_dma source(%arg8 : memref<384xf32, #tpu.memory_space<vmem>>) target(%dma_start3A_358 : memref<384xf32, #tpu.memory_space<hbm>>) target_semaphore(%run_scoped3A : memref<!tpu.dma_semaphore, #tpu.memory_space<semaphore_mem>>)
      %dma_wait3A_359 = tpu.memref_slice %arg4[%mul3A_356] : memref<12288xf32, #tpu.memory_space<hbm>> -> memref<384xf32, #tpu.memory_space<hbm>>
      %dma_wait3A_360 = tpu.memref_slice %arg4[%mul3A_356] : memref<12288xf32, #tpu.memory_space<hbm>> -> memref<384xf32, #tpu.memory_space<hbm>>
      tpu.wait_dma2 semaphore(%run_scoped3A : memref<!tpu.dma_semaphore, #tpu.memory_space<semaphore_mem>>) src(%arg8 : memref<384xf32, #tpu.memory_space<vmem>>) dst(%dma_wait3A_360 : memref<384xf32, #tpu.memory_space<hbm>>)
      tpu.yield
    }) : () -> ()
    return
  }
}

</mosaic_0001>

<sc_bundles>
// kernel: kernel.3.cloned.1.call-start
scs
__scs_entry_jumppad:
0x0: {  	(pc) =	sbr.rel $0x88, $3  }
0x1: {  	(tag) =	ssettag $0x0;
	lr =	simm.s32 $0x1  }
0x2: {  	[smem:$0x3F9F] =	sst lr;
	_ =	strace $0xD0000000  }
0x3: {  	_ = 	snop  }
0x4: {  	_ = 	snop  }
0x5: {  	_ = 	snop  }
0x6: {  	_ = 	snop  }
0x7: {  	_ = 	snop  }
__scs_overlays_trampoline_lowered:
0x8: {  	[smem:$0x3FAE] =	sst s0  }
0x9: {  	[smem:$0x3FAF] =	sst s1  }
0xa: {  	[smem:$0x3FB0] =	sst s2  }
0xb: {  	[smem:$0x3FB1] =	sst s3  }
0xc: {  	[smem:$0x3FB2] =	sst s4  }
0xd: {  	[smem:$0x3FB3] =	sst s5  }
0xe: {  	[smem:$0x3FB4] =	sst s6  }
0xf: {  	[smem:$0x3FB5] =	sst s7  }
0x10: {  	[smem:$0x3FB6] =	sst s8  }
0x11: {  	[smem:$0x3FB7] =	sst s9;
	s0 =	simm.s32 @!p0 $0x0  }
0x12: {  	s1 =	sld [smem:$0x3F9D];
	s0 =	simm.s32 @p0 $0x1  }
0x13: {  	[smem:$0x3FB8] =	sst s0;
	s0 =	simm.s32 @!p1 $0x0  }
0x14: {  	s2 =	sld [smem:$0x3F9C];
	s0 =	simm.s32 @p1 $0x1  }
0x15: {  	[smem:$0x3FB9] =	sst s0;
	s0 =	simm.s32 @!p2 $0x0  }
0x16: {  	s3 =	sld [smem:$0x3FDB];
	s0 =	simm.s32 @p2 $0x1  }
0x17: {  	s4 =	simm.s32 $0x1BF5;
	[smem:$0x3FBB] =	sst s0  }
0x18: {  	s0 =	sld [smem:$0x3F9E];
	_ =	swait.ge [sflag:s4], $0x0  }
0x19: {  	s7 =	sld [smem:$0x3F9F]  }
0x1a: {  	s8 =	sadd.s32 $0xFFFFE003, lr  }
0x1b: {  	s9 =	sadd.s32 $0xFFFFFEF7, lr;
	s5 =	simm.s32 $0xFFFFFFFF;
	p2 =	slt.u32 s8, $0xFFFFF086  }
0x1c: {  	p1 =	slt.u32 s9, $0xF7A;
	s5 =	simm.s32 @!p2 $0x0  }
0x1d: {  	s5 =	simm.s32 @p1 $0x1;
	p0 =	seq.s32 s7, s2  }
0x1e: {  	s7 =	smul.u32 @!p0 $0xF7A, s2;
	p2 =	seq.s32 @!p0 s5, $0x0  }
0x1f: {  	s9 =	smul.u32 $0xF7A, s1;
	s8 =	simm.s32 @!p0 $0x1BF5;
	p2 =	por !p2, p0  }
0x20: {  	[sflag:s8] =	ssyncset.s32 @!p0 $0xFFFFF086;
	s6 =	sadd.s32 @!p0 s3, s7;
	s7 =	simm.s32 @!p0 $0x108  }
0x21: {  	s3 =	sadd.s32 s3, s9;
	s6 =	sadd.s32 @!p0 $0x88, s6;
	s7 =	simm.s32 @p2 $0x1082  }
0x22: {  	[simem:s7], [sflag:s8] =	dma.local @!p0 [hbm:s6], $0xF7A  }
0x23: {  	s9 =	sor.u32 $0xD0000000, s2;
	s6 =	simm.s32 $0x108;
	_ =	swait.ge @!p0 [sflag:s8], $0x0  }
0x24: {  	s3 =	sadd.s32 $0x88, s3;
	s6 =	simm.s32 @!p1 $0x1082;
	[sflag:s4] =	ssyncset.s32 $0xFFFFF086  }
0x25: {  	[simem:s6], [sflag:s4] =	dma.local [hbm:s3], $0xF7A  }
0x26: {  	[smem:$0x3F9F] =	sst s1;
	(tag) =	ssettag s2;
	_ =	strace s9  }
0x27: {  	s1 =	sld [smem:$0x3FAF]  }
0x28: {  	s2 =	sld [smem:$0x3FB0]  }
0x29: {  	s4 =	sld [smem:$0x3FB2]  }
0x2a: {  	p0 =	seq.s32 s5, $0x0;
	s5 =	sld [smem:$0x3FB3]  }
0x2b: {  	s6 =	sld [smem:$0x3FB4]  }
0x2c: {  	s7 =	sld [smem:$0x3FB5]  }
0x2d: {  	s3 =	simm.s32 $0x108;
	s8 =	sld [smem:$0x3FB6]  }
0x2e: {  	s3 =	simm.s32 @!p0 $0x1082;
	s9 =	sld [smem:$0x3FB7]  }
0x2f: {  	lr =	sadd.s32 s0, s3;
	s0 =	sld [smem:$0x3FAE]  }
0x30: {  	s3 =	sld [smem:$0x3FB1]  }
0x31: {  	[smem:$0x3FBA] =	sst s10  }
0x32: {  	s10 =	sld [smem:$0x3FB8];
	_ =	sdelay $0x3  }
0x33: {  	p0 =	seq.s32 s10, $0x1;
	s10 =	sld [smem:$0x3FBA];
	_ =	sdelay $0x3  }
0x34: {  	[smem:$0x3FBA] =	sst s10  }
0x35: {  	s10 =	sld [smem:$0x3FB9];
	_ =	sdelay $0x3  }
0x36: {  	p1 =	seq.s32 s10, $0x1;
	s10 =	sld [smem:$0x3FBA];
	_ =	sdelay $0x3  }
0x37: {  	[smem:$0x3FBA] =	sst s10  }
0x38: {  	s10 =	sld [smem:$0x3FBB]  }
0x39: {  	_ = 	snop;
	(pc) =	sbr.ind lr, $3  }
0x3a: {  	_ = 	snop  }
0x3b: {  	_ = 	snop  }
0x3c: {  	p2 =	seq.s32 s10, $0x1;
	s10 =	sld [smem:$0x3FBA]  }
0x3d: {  	_ =	shalt  }
0x3e: {  	_ =	shalt  }
0x3f: {  	_ =	shalt  }
0x40: {  	_ =	shalt  }
0x41: {  	_ =	shalt  }
0x42: {  	_ =	shalt  }
0x43: {  	_ =	shalt  }
0x44: {  	_ =	shalt  }
0x45: {  	_ =	shalt  }
0x46: {  	_ =	shalt  }
0x47: {  	_ =	shalt  }
0x48: {  	_ =	shalt  }
0x49: {  	_ =	shalt  }
0x4a: {  	_ =	shalt  }
0x4b: {  	_ =	shalt  }
0x4c: {  	_ =	shalt  }
0x4d: {  	_ =	shalt  }
0x4e: {  	_ =	shalt  }
0x4f: {  	_ =	shalt  }
0x50: {  	_ =	shalt  }
0x51: {  	_ =	shalt  }
0x52: {  	_ =	shalt  }
0x53: {  	_ =	shalt  }
0x54: {  	_ =	shalt  }
0x55: {  	_ =	shalt  }
0x56: {  	_ =	shalt  }
0x57: {  	_ =	shalt  }
0x58: {  	_ =	shalt  }
0x59: {  	_ =	shalt  }
0x5a: {  	_ =	shalt  }
0x5b: {  	_ =	shalt  }
0x5c: {  	_ =	shalt  }
0x5d: {  	_ =	shalt  }
0x5e: {  	_ =	shalt  }
0x5f: {  	_ =	shalt  }
0x60: {  	_ =	shalt  }
0x61: {  	_ =	shalt  }
0x62: {  	_ =	shalt  }
0x63: {  	_ =	shalt  }
0x64: {  	_ =	shalt  }
0x65: {  	_ =	shalt  }
0x66: {  	_ =	shalt  }
0x67: {  	_ =	shalt  }
0x68: {  	_ =	shalt  }
0x69: {  	_ =	shalt  }
0x6a: {  	_ =	shalt  }
0x6b: {  	_ =	shalt  }
0x6c: {  	_ =	shalt  }
0x6d: {  	_ =	shalt  }
0x6e: {  	_ =	shalt  }
0x6f: {  	_ =	shalt  }
0x70: {  	_ =	shalt  }
0x71: {  	_ =	shalt  }
0x72: {  	_ =	shalt  }
0x73: {  	_ =	shalt  }
0x74: {  	_ =	shalt  }
0x75: {  	_ =	shalt  }
0x76: {  	_ =	shalt  }
0x77: {  	_ =	shalt  }
0x78: {  	_ =	shalt  }
0x79: {  	_ =	shalt  }
0x7a: {  	_ =	shalt  }
0x7b: {  	_ =	shalt  }
0x7c: {  	_ =	shalt  }
0x7d: {  	_ =	shalt  }
0x7e: {  	_ =	shalt  }
0x7f: {  	_ =	shalt  }
0x80: {  	_ =	shalt  }
0x81: {  	_ =	shalt  }
0x82: {  	_ =	shalt  }
0x83: {  	_ =	shalt  }
0x84: {  	_ =	shalt  }
0x85: {  	_ =	shalt  }
0x86: {  	_ =	shalt  }
0x87: {  	_ =	shalt  }
.Lfunc_end0:
.L_simem_size_0:
called_computation_lowered:
.L_overlay_start_0:
0x88: {  	s2 =	sld [smem:$0x3FD9]  }
0x89: {  	s3 =	sld [smem:$0x3FFE];
	_ =	sdelay $0x1  }
0x8a: {  	s1 =	srdreg.scid  }
0x8b: {  	s0 =	sand.u32 $0x1, s1  }
0x8c: {  	s18 =	sshll.u32 s0, $0xA;
	s2 =	sadd.s32 s3, s2  }
0x8d: {  	s2 =	sadd.s32 s2, s18  }
0x8e: {  	[smem:$0x3FC6] =	sst s2  }
0x8f: {  	_ = 	snop  }
0x90: {  	s2 =	sld [smem:$0x3FC9]  }
0x91: {  	s19 =	sld [smem:$0x3FC8]  }
0x92: {  	s4 =	sld [smem:$0x3FD0];
	(tm) =	ssettm $0x1  }
0x93: {  	s5 =	sld [smem:$0x3FFB];
	_ =	sdelay $0x3  }
0x94: {  	_ =	strace s5  }
0x95: {  	s5 =	sld [smem:$0x3FFC];
	_ =	sdelay $0x3  }
0x96: {  	_ =	strace s5  }
0x97: {  	s5 =	sld [smem:$0x3FFD];
	_ =	sdelay $0x3  }
0x98: {  	_ =	strace s5  }
0x99: {  	_ =	strace $0x8FFFFFFF  }
0x9a: {  	s20 =	sld [smem:$0x3FDB];
	_ =	sdelay $0x1  }
0x9b: {  	s6 =	simm.s32 $_scs_section_size  }
0x9c: {  	s7 =	simm.s32 $_size__tile_overlayer_lowered;
	s8 =	simm.s32 $_tile_overlayer_lowered  }
0x9d: {  	s23 =	simm.s32 $0x1BFF;
	s22 =	sshll.u32 s8, $0x1;
	s5 =	sadd.s32 s6, s20  }
0x9e: {  	s9 =	simm.s32 $0x0;
	s21 =	sshll.u32 s7, $0x1;
	s7 =	sadd.s32 s22, s5  }
0x9f: {  	[timem:s9], [sflag:s23] =	dma.local [hbm:s7], s21  }
0xa0: {  	_ =	swait.ge [sflag:s23], s21  }
0xa1: {  	s6 =	ssub.s32 $0x0, s21;
	[sflag:s23] =	ssyncset.done $0x0  }
0xa2: {  	[sflag:s23] =	ssyncadd.s32 s6;
	_ =	sdelay $0x1  }
0xa3: {  	s24 =	simm.s32 $0x1B8B  }
0xa4: {  	_ =	swait.ge [sflag:s24], $0x1  }
0xa5: {  	[sflag:s24] =	ssyncset.done $0x0  }
0xa6: {  	s25 =	simm.s32 $0x1B8E;
	[sflag:s24] =	ssyncadd.s32 $0xFFFFFFFF  }
0xa7: {  	s26 =	simm.s32 $execute0_lowered;
	[smem:$0x3FD2] =	sst s25  }
0xa8: {  	s6 =	sshll.u32 s26, $0x1;
	_ =	strace $0x80000046;
	[dreg:$0x1] =	wrdreg $0xFFFFFFFF  }
0xa9: {  	s28 =	simm.s32 $_size_execute0_lowered;
	s5 =	sadd.s32 s5, s6;
	[dreg:$0x0] =	wrdreg $0x0  }
0xaa: {  	s6 =	sshll.u32 s28, $0x1;
	[dreg:$0x2] =	wrdreg s5  }
0xab: {  	[dreg:$0x3] =	wrdreg s6  }
0xac: {  	[dreg:$0x4] =	wrdreg $0xC0  }
0xad: {  	_ =	task [dreg:s9], $0x5FFFF  }
0xae: {  	[dreg:$0x1] =	wrdreg $0xFFFFFFFF  }
0xaf: {  	[dreg:$0x0] =	wrdreg $0x60  }
0xb0: {  	[dreg:$0x2] =	wrdreg s2  }
0xb1: {  	[dreg:$0x3] =	wrdreg s19  }
0xb2: {  	[dreg:$0x4] =	wrdreg s4  }
0xb3: {  	[dreg:$0x5] =	wrdreg $0x9  }
0xb4: {  	_ =	task.clear_ibuf [dreg:s9], $0x6FFFF;
	_ =	strace $0x90000046  }
0xb5: {  	s29 =	simm.s32 $0x9;
	_ =	strace $0x80000048  }
0xb6: {  	_ =	swait.ge [sflag:s29], $0x1  }
0xb7: {  	[sflag:s29] =	ssyncadd.s32 $0xFFFFFFFF  }
0xb8: {  	_ =	strace $0x90000048  }
0xb9: {  	_ =	sfence  }
0xba: {  	s30 =	sld [smem:$0x0];
	_ =	sdelay $0x2  }
0xbb: {  	s31 =	sshll.u32 s1, $0xD;
	s1 =	sshrl.u32 s1, $0x2  }
0xbc: {  	s3 =	sand.u32 $0x4000, s31;
	s1 =	sadd.s32 s1, s30  }
0xbd: {  	s0 =	sor.u32 s3, s0;
	s1 =	sshll.u32 s1, $0x11  }
0xbe: {  	s0 =	sor.u32 s1, s0  }
0xbf: {  	s0 =	sadd.s32 $0x8F2B, s0  }
0xc0: {  	[sflag:s0] =	ssyncadd.remote.s32 $0x1  }
0xc1: {  	_ =	sfence.sel $0xFFFF  }
0xc2: {  	[dreg:$0x0] =	wrdreg $0xFFFFFFFF;
	(pc) =	sbr.abs _section_cstart, $3  }
0xc3: {  	[dreg:$0x1] =	wrdreg $0xFFFFFFFF  }
0xc4: {  	_ =	task.clear_ibuf [dreg:s9], $0x2FFFF;
	_ =	strace $0x9FFFFFFF  }
0xc5: {  	(tm) =	ssettm $0x7FFFFFFF  }
tec
execute0_lowered:
.L_overlay_start_1:
0x0: {  	(tag) =	ssettag $0x1  }
0x1: {  	s6 =	rddreg [dreg:$0x0]  }
0x2: {  	s0 =	rddreg [dreg:$0x1]  }
0x3: {  	s3 =	rddreg [dreg:$0x2];
	s4 =	srdreg.scid  }
0x4: {  	s1 =	stileid.u32;
	s2 =	simm.s32 $0x0;
	s13 =	simm.s32 $0xC080  }
0x5: {  	[dreg:$0x4] =	wrdreg s0;
	s4 =	sand.u32 $0x1, s4;
	s5 =	sshll.u32 s1, $0x1  }
0x6: {  	s0 =	rddreg [dreg:$0x3];
	s5 =	sor.u32 s4, s5;
	s4 =	ssub.s32 $0x2, s4  }
0x7: {  	p0 =	por $0x0, $0x0;
	[smem:$0x7FF] =	sst s2;
	s8 =	sshrl.u32 s4, $0x1  }
0x8: {  	v0 =	vlaneseq.u32;
	s9 =	sshll.u32 s1, $0x4;
	_ =	strace $0x80000047;
	s4 =	ssub.s32 s4, s8  }
0x9: {  	v7 =	vmul.u32 $0x80, v0;
	s31 =	sand.u32 $0xC0, s9;
	s9 =	simm.s32 $0x400;
	s12 =	smax.u32 s4, $0x1  }
0xa: {  	s7 =	sshll.u32 s5, $0x1;
	s5 =	smul.u32 $0x30, s5;
	p1 =	sne.s32 s12, $0x1  }
.Ltmp0:
0xb: {  	[dreg:$0x6] =	wrdreg s13;
	s11 =	sshrl.u32 s31, $0x2;
	v11 =	vor.u32 $0x800, v7;
	v9 =	vor.u32 $0x1000, v7;
	v10 =	vor.u32 $0x1800, v7;
	(pc) =	sbr.rel @!p1 .LBB2_3-.Ltmp0, $4  }
0xc: {  	v8 =	vor.u32 $0x2000, v7;
	v6 =	vor.u32 $0x2800, v7;
	v5 =	vor.u32 $0x3000, v7;
	s13 =	rddreg [dreg:$0x4];
	s7 =	sand.u32 $0xE, s7;
	s8 =	simm.s32 $0x1  }
0xd: {  	v4 =	vor.u32 $0x3800, v7;
	v3 =	vor.u32 $0x4800, v7;
	s10 =	sor.u32 $0x1, s7;
	s3 =	sadd.s32 s3, s5;
	v2 =	vmov s7;
	s5 =	simm.s32 $0x80  }
0xe: {  	s4 =	simm.s32 $0x6080;
	s7 =	simm.s32 $0x2;
	v1 =	vmov s10;
	[dreg:$0x5] =	wrdreg s3;
	vm1 =	veq.s32 v2, v0;
	v2 =	vor.u32 $0x4000, v7  }
0xf: {  	s3 =	simm.s32 $0x3;
	s10 =	simm.s32 $0xC3800;
	s12 =	sadd.s32 $0xFFFFFFFF, s12;
	vm0 =	veq.s32 v1, v0;
	v1 =	vor.u32 $0x5000, v7;
	v0 =	vor.u32 $0x5800, v7  }
0x10: {  	[tilespmem:s2], [sflag:$0x3] =	stream.linear.gather [hbm4b:s13+s2], $0x80, $0x38;
	[tilespmem:$0xC200] =	vst v63  }
0x11: {  	_ =	swait.ge [sflag:s3], $0x80  }
0x12: {  	[sflag:s3] =	ssyncset.done $0x0  }
0x13: {  	[sflag:s3] =	ssyncadd.s32 $0xFFFFFF80  }
0x14: {  	v12 =	vld [tilespmem:s11+$0x0];
	_ =	sdelay $0x4  }
0x15: {  	v12 =	vxor.u32 $0x80000000, v12  }
0x16: {  	v12 =	vnsel vm1, $0x80000000, v12  }
0x17: {  	(xrf0) =	vmax.scan.msk.u32 $0xffff, v12;
	_ =	sdelay $0x5  }
0x18: {  	v12, _, _ =	vpop (xrf0)  }
0x19: {  	(v2sf) =	vpush v12, $0xF;
	_ =	sdelay $0xe  }
0x1a: {  	s24 =	spop (v2sf)  }
0x1b: {  	s14 =	sxor.u32 $0x80000000, s24  }
0x1c: {  	s15 =	sshra.s32 s14, $0x1F  }
0x1d: {  	s15 =	sshrl.u32 s15, $0x19  }
0x1e: {  	s15 =	sadd.s32 s15, s14  }
0x1f: {  	p1 =	sgt.s32 s24, $0xFFFFFFFF;
	p0 =	slt.s32 s14, $0x1;
	s16 =	sand.u32 $0xFFFFFF80, s15  }
0x20: {  	p0 =	por p1, p0;
	p3 =	sne.s32 s14, s16  }
0x21: {  	p0 =	por !p0, !p3  }
0x22: {  	s14 =	simm.s32 $0x1;
	p0 =	por !p0, !p0  }
0x23: {  	s15 =	sshrl.u32 s15, $0x7;
	s14 =	simm.s32 @!p0 $0x0  }
0x24: {  	s14 =	ssub.s32 s15, s14  }
0x25: {  	s14 =	sshll.u32 s14, $0x7  }
0x26: {  	s14 =	sand.u32 $0x1FFFFF80, s14  }
0x27: {  	s14 =	sadd.s32 s6, s14  }
0x28: {  	[tilespmem:s5], [sflag:$0x1] =	stream.strided.gather [hbm4b:s14+s9], $0x6000, s10, s9, $0x38;
	[tilespmem:$0xC200] =	vst v63  }
0x29: {  	v39 =	vld [tilespmem:s11+$0x0];
	_ =	sdelay $0x4  }
0x2a: {  	v12 =	vxor.u32 $0x80000000, v39  }
0x2b: {  	v12 =	vnsel vm0, $0x80000000, v12  }
0x2c: {  	(xrf0) =	vmax.scan.msk.u32 $0xffff, v12;
	_ =	sdelay $0x5  }
0x2d: {  	v12, _, _ =	vpop (xrf0)  }
0x2e: {  	(v2sf) =	vpush v12, $0xF;
	_ =	sdelay $0xe  }
0x2f: {  	s25 =	spop (v2sf)  }
0x30: {  	s26 =	sxor.u32 $0x80000000, s25  }
0x31: {  	s28 =	sshra.s32 s26, $0x1F  }
0x32: {  	s16 =	sshrl.u32 s28, $0x19  }
0x33: {  	s16 =	sadd.s32 s16, s26  }
0x34: {  	p5 =	sgt.s32 s25, $0xFFFFFFFF;
	p4 =	slt.s32 s26, $0x1;
	s17 =	sand.u32 $0xFFFFFF80, s16  }
0x35: {  	p0 =	por p5, p4;
	p6 =	sne.s32 s26, s17  }
0x36: {  	p0 =	por !p0, !p6  }
0x37: {  	s15 =	simm.s32 $0x1;
	p0 =	por !p0, !p0  }
0x38: {  	s16 =	sshrl.u32 s16, $0x7;
	s15 =	simm.s32 @!p0 $0x0  }
0x39: {  	s15 =	ssub.s32 s16, s15  }
0x3a: {  	s15 =	sshll.u32 s15, $0x7  }
0x3b: {  	s13 =	sand.u32 $0x7F, s24;
	s15 =	sand.u32 $0x1FFFFF80, s15  }
0x3c: {  	v40 =	vor.u32 s13, v7;
	s15 =	sadd.s32 s6, s15  }
0x3d: {  	[tilespmem:s4], [sflag:$0x2] =	stream.strided.gather [hbm4b:s15+s9], $0x6000, s10, s9, $0x38;
	[tilespmem:$0xC200] =	vst v63  }
0x3e: {  	_ =	swait.ge [sflag:s8], $0x6000  }
0x3f: {  	[sflag:s8] =	ssyncset.done $0x0  }
0x40: {  	[sflag:s8] =	ssyncadd.s32 $0xFFFFA000  }
0x41: {  	v12 =	vld.idx.msk [tilespmem:v40+s5+$0x0], $0xffff  }
0x42: {  	v13 =	vor.u32 s13, v11;
	_ =	sdelay $0x3  }
0x43: {  	[tilespmem:$0xC080] =	vst v12  }
0x44: {  	v12 =	vld.idx.msk [tilespmem:v13+s5+$0x0], $0xffff  }
0x45: {  	v41 =	vor.u32 s13, v9;
	_ =	sdelay $0x3  }
0x46: {  	[tilespmem:$0xC090] =	vst v12  }
0x47: {  	v12 =	vld.idx.msk [tilespmem:v41+s5+$0x0], $0xffff  }
0x48: {  	v42 =	vor.u32 s13, v10;
	_ =	sdelay $0x3  }
0x49: {  	[tilespmem:$0xC0A0] =	vst v12  }
0x4a: {  	v12 =	vld.idx.msk [tilespmem:v42+s5+$0x0], $0xffff  }
0x4b: {  	v43 =	vor.u32 s13, v8;
	_ =	sdelay $0x3  }
0x4c: {  	[tilespmem:$0xC0B0] =	vst v12  }
0x4d: {  	v12 =	vld.idx.msk [tilespmem:v43+s5+$0x0], $0xffff  }
0x4e: {  	v44 =	vor.u32 s13, v6;
	_ =	sdelay $0x3  }
0x4f: {  	[tilespmem:$0xC0C0] =	vst v12  }
0x50: {  	v12 =	vld.idx.msk [tilespmem:v44+s5+$0x0], $0xffff  }
0x51: {  	v45 =	vor.u32 s13, v5;
	_ =	sdelay $0x3  }
0x52: {  	[tilespmem:$0xC0D0] =	vst v12  }
0x53: {  	v12 =	vld.idx.msk [tilespmem:v45+s5+$0x0], $0xffff  }
0x54: {  	v46 =	vor.u32 s13, v4;
	_ =	sdelay $0x3  }
0x55: {  	[tilespmem:$0xC0E0] =	vst v12  }
0x56: {  	v12 =	vld.idx.msk [tilespmem:v46+s5+$0x0], $0xffff  }
0x57: {  	v47 =	vor.u32 s13, v2;
	_ =	sdelay $0x3  }
0x58: {  	[tilespmem:$0xC0F0] =	vst v12  }
0x59: {  	v12 =	vld.idx.msk [tilespmem:v47+s5+$0x0], $0xffff  }
0x5a: {  	v48 =	vor.u32 s13, v3;
	_ =	sdelay $0x3  }
0x5b: {  	[tilespmem:$0xC100] =	vst v12  }
0x5c: {  	v12 =	vld.idx.msk [tilespmem:v48+s5+$0x0], $0xffff  }
0x5d: {  	v49 =	vor.u32 s13, v1;
	_ =	sdelay $0x3  }
0x5e: {  	[tilespmem:$0xC110] =	vst v12  }
0x5f: {  	v12 =	vld.idx.msk [tilespmem:v49+s5+$0x0], $0xffff  }
0x60: {  	v50 =	vor.u32 s13, v0;
	_ =	sdelay $0x3  }
0x61: {  	[tilespmem:$0xC120] =	vst v12  }
0x62: {  	v12 =	vld.idx.msk [tilespmem:v50+s5+$0x0], $0xffff;
	_ =	sdelay $0x2  }
0x63: {  	s29 =	sand.u32 $0x7F, s25  }
0x64: {  	v51 =	vor.u32 s29, v7  }
0x65: {  	[tilespmem:$0xC130] =	vst v12  }
0x66: {  	_ =	swait.ge [sflag:s7], $0x6000  }
0x67: {  	[sflag:s7] =	ssyncset.done $0x0  }
0x68: {  	[sflag:s7] =	ssyncadd.s32 $0xFFFFA000  }
0x69: {  	v52 =	vld.idx.msk [tilespmem:v51+s4+$0x0], $0xffff  }
0x6a: {  	v53 =	vor.u32 s29, v11;
	_ =	sdelay $0x3  }
0x6b: {  	[tilespmem:$0xC140] =	vst v52  }
0x6c: {  	v12 =	vld.idx.msk [tilespmem:v53+s4+$0x0], $0xffff  }
0x6d: {  	v54 =	vor.u32 s29, v9;
	_ =	sdelay $0x3  }
0x6e: {  	[tilespmem:$0xC150] =	vst v12  }
0x6f: {  	v12 =	vld.idx.msk [tilespmem:v54+s4+$0x0], $0xffff  }
0x70: {  	v55 =	vor.u32 s29, v10;
	_ =	sdelay $0x3  }
0x71: {  	[tilespmem:$0xC160] =	vst v12  }
0x72: {  	v12 =	vld.idx.msk [tilespmem:v55+s4+$0x0], $0xffff  }
0x73: {  	v56 =	vor.u32 s29, v8;
	_ =	sdelay $0x3  }
0x74: {  	[tilespmem:$0xC170] =	vst v12  }
0x75: {  	v12 =	vld.idx.msk [tilespmem:v56+s4+$0x0], $0xffff  }
0x76: {  	v57 =	vor.u32 s29, v6;
	_ =	sdelay $0x3  }
0x77: {  	[tilespmem:$0xC180] =	vst v12  }
0x78: {  	v12 =	vld.idx.msk [tilespmem:v57+s4+$0x0], $0xffff  }
0x79: {  	v58 =	vor.u32 s29, v5;
	_ =	sdelay $0x3  }
0x7a: {  	[tilespmem:$0xC190] =	vst v12  }
0x7b: {  	v12 =	vld.idx.msk [tilespmem:v58+s4+$0x0], $0xffff  }
0x7c: {  	v59 =	vor.u32 s29, v4;
	_ =	sdelay $0x3  }
0x7d: {  	[tilespmem:$0xC1A0] =	vst v12  }
0x7e: {  	v12 =	vld.idx.msk [tilespmem:v59+s4+$0x0], $0xffff  }
0x7f: {  	v60 =	vor.u32 s29, v2;
	_ =	sdelay $0x3  }
0x80: {  	[tilespmem:$0xC1B0] =	vst v12  }
0x81: {  	v12 =	vld.idx.msk [tilespmem:v60+s4+$0x0], $0xffff  }
0x82: {  	v61 =	vor.u32 s29, v3;
	_ =	sdelay $0x3  }
0x83: {  	[tilespmem:$0xC1C0] =	vst v12  }
0x84: {  	v12 =	vld.idx.msk [tilespmem:v61+s4+$0x0], $0xffff  }
0x85: {  	v62 =	vor.u32 s29, v1;
	_ =	sdelay $0x3  }
0x86: {  	[tilespmem:$0xC1D0] =	vst v12  }
0x87: {  	v12 =	vld.idx.msk [tilespmem:v62+s4+$0x0], $0xffff  }
0x88: {  	v63 =	vor.u32 s29, v0;
	_ =	sdelay $0x3  }
0x89: {  	[tilespmem:$0xC1E0] =	vst v12  }
0x8a: {  	v12 =	vld.idx.msk [tilespmem:v63+s4+$0x0], $0xffff;
	_ =	sdelay $0x2  }
0x8b: {  	p1 =	sne.s32 s12, $0x1  }
.Ltmp1:
0x8c: {  	s30 =	rddreg [dreg:$0x6];
	(pc) =	sbr.rel @!p1 .LBB2_3-.Ltmp1, $4  }
0x8d: {  	s31 =	rddreg [dreg:$0x5];
	[tilespmem:$0xC1F0] =	vst v12  }
0x8e: {  	[hbm4b:s31+s2] =	stream.linear.scatter [tilespmem:s30], [sflag:$0x3], $0x180, $0x38;
	[tilespmem:$0xC200] =	vst v63  }
0x8f: {  	s12 =	sadd.s32 $0xFFFFFFFF, s12;
	_ =	swait.ge [sflag:s3], $0x180  }
0x90: {  	p0 =	por $0x1, $0x1;
	s13 =	rddreg [dreg:$0x4];
	[sflag:s3] =	ssyncset.done $0x0  }
.LBB2_2:
0x91: {  	[sflag:s3] =	ssyncadd.s32 $0xFFFFFE80  }
0x92: {  	[tilespmem:s2], [sflag:$0x3] =	stream.linear.gather [hbm4b:s13+s2], $0x80, $0x38;
	[tilespmem:$0xC200] =	vst v63  }
0x93: {  	_ =	swait.ge [sflag:s3], $0x80  }
0x94: {  	[sflag:s3] =	ssyncset.done $0x0  }
0x95: {  	[sflag:s3] =	ssyncadd.s32 $0xFFFFFF80  }
0x96: {  	v12 =	vld [tilespmem:s11+$0x0];
	_ =	sdelay $0x4  }
0x97: {  	v12 =	vxor.u32 $0x80000000, v12  }
0x98: {  	v12 =	vnsel vm1, $0x80000000, v12  }
0x99: {  	(xrf0) =	vmax.scan.msk.u32 $0xffff, v12;
	_ =	sdelay $0x5  }
0x9a: {  	v12, _, _ =	vpop (xrf0)  }
0x9b: {  	(v2sf) =	vpush v12, $0xF;
	_ =	sdelay $0xe  }
0x9c: {  	s22 =	spop (v2sf)  }
0x9d: {  	s15 =	sxor.u32 $0x80000000, s22  }
0x9e: {  	s16 =	sshra.s32 s15, $0x1F  }
0x9f: {  	s16 =	sshrl.u32 s16, $0x19  }
0xa0: {  	s16 =	sadd.s32 s16, s15  }
0xa1: {  	p3 =	sgt.s32 s22, $0xFFFFFFFF;
	p2 =	slt.s32 s15, $0x1;
	s17 =	sand.u32 $0xFFFFFF80, s16  }
0xa2: {  	p2 =	por p3, p2;
	p6 =	sne.s32 s15, s17  }
0xa3: {  	p2 =	por !p2, !p6  }
0xa4: {  	s15 =	simm.s32 $0x1;
	p2 =	por !p2, !p2  }
0xa5: {  	s23 =	sshrl.u32 s16, $0x7;
	s15 =	simm.s32 @!p2 $0x0  }
0xa6: {  	s13 =	ssub.s32 s23, s15  }
0xa7: {  	s13 =	sshll.u32 s13, $0x7  }
0xa8: {  	s13 =	sand.u32 $0x1FFFFF80, s13  }
0xa9: {  	s13 =	sadd.s32 s6, s13  }
0xaa: {  	[tilespmem:s5], [sflag:$0x1] =	stream.strided.gather [hbm4b:s13+s9], $0x6000, s10, s9, $0x38;
	[tilespmem:$0xC200] =	vst v63  }
0xab: {  	v39 =	vld [tilespmem:s11+$0x0];
	_ =	sdelay $0x4  }
0xac: {  	v12 =	vxor.u32 $0x80000000, v39  }
0xad: {  	v12 =	vnsel vm0, $0x80000000, v12  }
0xae: {  	(xrf0) =	vmax.scan.msk.u32 $0xffff, v12;
	_ =	sdelay $0x5  }
0xaf: {  	v12, _, _ =	vpop (xrf0)  }
0xb0: {  	(v2sf) =	vpush v12, $0xF;
	_ =	sdelay $0xe  }
0xb1: {  	s24 =	spop (v2sf)  }
0xb2: {  	s25 =	sxor.u32 $0x80000000, s24  }
0xb3: {  	s28 =	sshra.s32 s25, $0x1F  }
0xb4: {  	s17 =	sshrl.u32 s28, $0x19  }
0xb5: {  	s17 =	sadd.s32 s17, s25  }
0xb6: {  	p5 =	sgt.s32 s24, $0xFFFFFFFF;
	p4 =	slt.s32 s25, $0x1;
	s18 =	sand.u32 $0xFFFFFF80, s17  }
0xb7: {  	p2 =	por p5, p4;
	p6 =	sne.s32 s25, s18  }
0xb8: {  	p2 =	por !p2, !p6  }
0xb9: {  	s16 =	simm.s32 $0x1;
	p2 =	por !p2, !p2  }
0xba: {  	s29 =	sshrl.u32 s17, $0x7;
	s16 =	simm.s32 @!p2 $0x0  }
0xbb: {  	s15 =	ssub.s32 s29, s16  }
0xbc: {  	s15 =	sshll.u32 s15, $0x7  }
0xbd: {  	s14 =	sand.u32 $0x7F, s22;
	s15 =	sand.u32 $0x1FFFFF80, s15  }
0xbe: {  	v40 =	vor.u32 s14, v7;
	s15 =	sadd.s32 s6, s15  }
0xbf: {  	[tilespmem:s4], [sflag:$0x2] =	stream.strided.gather [hbm4b:s15+s9], $0x6000, s10, s9, $0x38;
	[tilespmem:$0xC200] =	vst v63  }
0xc0: {  	_ =	swait.ge [sflag:s8], $0x6000  }
0xc1: {  	[sflag:s8] =	ssyncset.done $0x0  }
0xc2: {  	[sflag:s8] =	ssyncadd.s32 $0xFFFFA000  }
0xc3: {  	v12 =	vld.idx.msk [tilespmem:v40+s5+$0x0], $0xffff  }
0xc4: {  	v13 =	vor.u32 s14, v11;
	_ =	sdelay $0x3  }
0xc5: {  	[tilespmem:$0xC080] =	vst v12  }
0xc6: {  	v12 =	vld.idx.msk [tilespmem:v13+s5+$0x0], $0xffff  }
0xc7: {  	v41 =	vor.u32 s14, v9;
	_ =	sdelay $0x3  }
0xc8: {  	[tilespmem:$0xC090] =	vst v12  }
0xc9: {  	v12 =	vld.idx.msk [tilespmem:v41+s5+$0x0], $0xffff  }
0xca: {  	v42 =	vor.u32 s14, v10;
	_ =	sdelay $0x3  }
0xcb: {  	[tilespmem:$0xC0A0] =	vst v12  }
0xcc: {  	v12 =	vld.idx.msk [tilespmem:v42+s5+$0x0], $0xffff  }
0xcd: {  	v43 =	vor.u32 s14, v8;
	_ =	sdelay $0x3  }
0xce: {  	[tilespmem:$0xC0B0] =	vst v12  }
0xcf: {  	v12 =	vld.idx.msk [tilespmem:v43+s5+$0x0], $0xffff  }
0xd0: {  	v44 =	vor.u32 s14, v6;
	_ =	sdelay $0x3  }
0xd1: {  	[tilespmem:$0xC0C0] =	vst v12  }
0xd2: {  	v12 =	vld.idx.msk [tilespmem:v44+s5+$0x0], $0xffff  }
0xd3: {  	v45 =	vor.u32 s14, v5;
	_ =	sdelay $0x3  }
0xd4: {  	[tilespmem:$0xC0D0] =	vst v12  }
0xd5: {  	v12 =	vld.idx.msk [tilespmem:v45+s5+$0x0], $0xffff  }
0xd6: {  	v46 =	vor.u32 s14, v4;
	_ =	sdelay $0x3  }
0xd7: {  	[tilespmem:$0xC0E0] =	vst v12  }
0xd8: {  	v12 =	vld.idx.msk [tilespmem:v46+s5+$0x0], $0xffff  }
0xd9: {  	v47 =	vor.u32 s14, v2;
	_ =	sdelay $0x3  }
0xda: {  	[tilespmem:$0xC0F0] =	vst v12  }
0xdb: {  	v12 =	vld.idx.msk [tilespmem:v47+s5+$0x0], $0xffff  }
0xdc: {  	v48 =	vor.u32 s14, v3;
	_ =	sdelay $0x3  }
0xdd: {  	[tilespmem:$0xC100] =	vst v12  }
0xde: {  	v12 =	vld.idx.msk [tilespmem:v48+s5+$0x0], $0xffff  }
0xdf: {  	v49 =	vor.u32 s14, v1;
	_ =	sdelay $0x3  }
0xe0: {  	[tilespmem:$0xC110] =	vst v12  }
0xe1: {  	v12 =	vld.idx.msk [tilespmem:v49+s5+$0x0], $0xffff  }
0xe2: {  	v50 =	vor.u32 s14, v0;
	_ =	sdelay $0x3  }
0xe3: {  	[tilespmem:$0xC120] =	vst v12  }
0xe4: {  	v12 =	vld.idx.msk [tilespmem:v50+s5+$0x0], $0xffff;
	_ =	sdelay $0x2  }
0xe5: {  	s26 =	sand.u32 $0x7F, s24  }
0xe6: {  	v51 =	vor.u32 s26, v7  }
0xe7: {  	[tilespmem:$0xC130] =	vst v12  }
0xe8: {  	_ =	swait.ge [sflag:s7], $0x6000  }
0xe9: {  	[sflag:s7] =	ssyncset.done $0x0  }
0xea: {  	[sflag:s7] =	ssyncadd.s32 $0xFFFFA000  }
0xeb: {  	v52 =	vld.idx.msk [tilespmem:v51+s4+$0x0], $0xffff  }
0xec: {  	v53 =	vor.u32 s26, v11;
	_ =	sdelay $0x3  }
0xed: {  	[tilespmem:$0xC140] =	vst v52  }
0xee: {  	v12 =	vld.idx.msk [tilespmem:v53+s4+$0x0], $0xffff  }
0xef: {  	v54 =	vor.u32 s26, v9;
	_ =	sdelay $0x3  }
0xf0: {  	[tilespmem:$0xC150] =	vst v12  }
0xf1: {  	v12 =	vld.idx.msk [tilespmem:v54+s4+$0x0], $0xffff  }
0xf2: {  	v55 =	vor.u32 s26, v10;
	_ =	sdelay $0x3  }
0xf3: {  	[tilespmem:$0xC160] =	vst v12  }
0xf4: {  	v12 =	vld.idx.msk [tilespmem:v55+s4+$0x0], $0xffff  }
0xf5: {  	v56 =	vor.u32 s26, v8;
	_ =	sdelay $0x3  }
0xf6: {  	[tilespmem:$0xC170] =	vst v12  }
0xf7: {  	v12 =	vld.idx.msk [tilespmem:v56+s4+$0x0], $0xffff  }
0xf8: {  	v57 =	vor.u32 s26, v6;
	_ =	sdelay $0x3  }
0xf9: {  	[tilespmem:$0xC180] =	vst v12  }
0xfa: {  	v12 =	vld.idx.msk [tilespmem:v57+s4+$0x0], $0xffff  }
0xfb: {  	v58 =	vor.u32 s26, v5;
	_ =	sdelay $0x3  }
0xfc: {  	[tilespmem:$0xC190] =	vst v12  }
0xfd: {  	v12 =	vld.idx.msk [tilespmem:v58+s4+$0x0], $0xffff  }
0xfe: {  	v59 =	vor.u32 s26, v4;
	_ =	sdelay $0x3  }
0xff: {  	[tilespmem:$0xC1A0] =	vst v12  }
0x100: {  	v12 =	vld.idx.msk [tilespmem:v59+s4+$0x0], $0xffff  }
0x101: {  	v60 =	vor.u32 s26, v2;
	_ =	sdelay $0x3  }
0x102: {  	[tilespmem:$0xC1B0] =	vst v12  }
0x103: {  	v12 =	vld.idx.msk [tilespmem:v60+s4+$0x0], $0xffff  }
0x104: {  	v61 =	vor.u32 s26, v3;
	_ =	sdelay $0x3  }
0x105: {  	[tilespmem:$0xC1C0] =	vst v12  }
0x106: {  	v12 =	vld.idx.msk [tilespmem:v61+s4+$0x0], $0xffff  }
0x107: {  	v62 =	vor.u32 s26, v1;
	_ =	sdelay $0x3  }
0x108: {  	[tilespmem:$0xC1D0] =	vst v12  }
0x109: {  	v12 =	vld.idx.msk [tilespmem:v62+s4+$0x0], $0xffff  }
0x10a: {  	v63 =	vor.u32 s26, v0;
	_ =	sdelay $0x3  }
0x10b: {  	[tilespmem:$0xC1E0] =	vst v12  }
0x10c: {  	v12 =	vld.idx.msk [tilespmem:v63+s4+$0x0], $0xffff;
	_ =	sdelay $0x2  }
0x10d: {  	p1 =	sne.s32 s12, $0x1  }
.Ltmp2:
0x10e: {  	s30 =	rddreg [dreg:$0x6];
	(pc) =	sbr.rel @p1 .LBB2_2-.Ltmp2, $4  }
0x10f: {  	s31 =	rddreg [dreg:$0x5];
	[tilespmem:$0xC1F0] =	vst v12  }
0x110: {  	[hbm4b:s31+s2] =	stream.linear.scatter [tilespmem:s30], [sflag:$0x3], $0x180, $0x38;
	[tilespmem:$0xC200] =	vst v63  }
0x111: {  	_ =	swait.ge [sflag:s3], $0x180  }
0x112: {  	s12 =	sadd.s32 $0xFFFFFFFF, s12;
	s13 =	rddreg [dreg:$0x4];
	[sflag:s3] =	ssyncset.done $0x0  }
.LBB2_3:
0x113: {  	[sflag:s3] =	ssyncadd.s32 @p0 $0xFFFFFE80  }
0x114: {  	[tilespmem:s2], [sflag:$0x3] =	stream.linear.gather [hbm4b:s13+s2], $0x80, $0x38;
	[tilespmem:$0xC200] =	vst v63  }
0x115: {  	_ =	swait.ge [sflag:s3], $0x80  }
0x116: {  	[sflag:s3] =	ssyncset.done $0x0  }
0x117: {  	[sflag:s3] =	ssyncadd.s32 $0xFFFFFF80  }
0x118: {  	v12 =	vld [tilespmem:s11+$0x0];
	_ =	sdelay $0x4  }
0x119: {  	v12 =	vxor.u32 $0x80000000, v12  }
0x11a: {  	v12 =	vnsel vm1, $0x80000000, v12  }
0x11b: {  	(xrf0) =	vmax.scan.msk.u32 $0xffff, v12;
	_ =	sdelay $0x5  }
0x11c: {  	v12, _, _ =	vpop (xrf0)  }
0x11d: {  	(v2sf) =	vpush v12, $0xF;
	_ =	sdelay $0xe  }
0x11e: {  	s12 =	spop (v2sf)  }
0x11f: {  	s22 =	sxor.u32 $0x80000000, s12  }
0x120: {  	s14 =	sshra.s32 s22, $0x1F  }
0x121: {  	s14 =	sshrl.u32 s14, $0x19  }
0x122: {  	s14 =	sadd.s32 s14, s22  }
0x123: {  	p1 =	sgt.s32 s12, $0xFFFFFFFF;
	p2 =	slt.s32 s22, $0x1;
	s15 =	sand.u32 $0xFFFFFF80, s14  }
0x124: {  	p0 =	por p1, p2;
	p3 =	sne.s32 s22, s15  }
0x125: {  	p0 =	por !p0, !p3  }
0x126: {  	s13 =	simm.s32 $0x1;
	p0 =	por !p0, !p0  }
0x127: {  	s14 =	sshrl.u32 s14, $0x7;
	s13 =	simm.s32 @!p0 $0x0  }
0x128: {  	s13 =	ssub.s32 s14, s13  }
0x129: {  	s13 =	sshll.u32 s13, $0x7  }
0x12a: {  	s13 =	sand.u32 $0x1FFFFF80, s13  }
0x12b: {  	s13 =	sadd.s32 s6, s13  }
0x12c: {  	[tilespmem:s5], [sflag:$0x1] =	stream.strided.gather [hbm4b:s13+s9], $0x6000, s10, s9, $0x38;
	[tilespmem:$0xC200] =	vst v63  }
0x12d: {  	v40 =	vld [tilespmem:s11+$0x0];
	_ =	sdelay $0x4  }
0x12e: {  	v12 =	vxor.u32 $0x80000000, v40  }
0x12f: {  	v12 =	vnsel vm0, $0x80000000, v12  }
0x130: {  	(xrf0) =	vmax.scan.msk.u32 $0xffff, v12;
	_ =	sdelay $0x5  }
0x131: {  	v12, _, _ =	vpop (xrf0)  }
0x132: {  	(v2sf) =	vpush v12, $0xF;
	_ =	sdelay $0xe  }
0x133: {  	s23 =	spop (v2sf)  }
0x134: {  	s24 =	sxor.u32 $0x80000000, s23  }
0x135: {  	s25 =	sshra.s32 s24, $0x1F  }
0x136: {  	s14 =	sshrl.u32 s25, $0x19  }
0x137: {  	s14 =	sadd.s32 s14, s24  }
0x138: {  	p5 =	sgt.s32 s23, $0xFFFFFFFF;
	p4 =	slt.s32 s24, $0x1;
	s26 =	sand.u32 $0xFFFFFF80, s14  }
0x139: {  	p0 =	por p5, p4;
	p6 =	sne.s32 s24, s26  }
0x13a: {  	p0 =	por !p0, !p6  }
0x13b: {  	s13 =	simm.s32 $0x1;
	p0 =	por !p0, !p0  }
0x13c: {  	s14 =	sshrl.u32 s14, $0x7;
	s13 =	simm.s32 @!p0 $0x0  }
0x13d: {  	s13 =	ssub.s32 s14, s13  }
0x13e: {  	s13 =	sshll.u32 s13, $0x7  }
0x13f: {  	s12 =	sand.u32 $0x7F, s12;
	s13 =	sand.u32 $0x1FFFFF80, s13  }
0x140: {  	v41 =	vor.u32 s12, v7;
	s28 =	sadd.s32 s6, s13  }
0x141: {  	[tilespmem:s4], [sflag:$0x2] =	stream.strided.gather [hbm4b:s28+s9], $0x6000, s10, s9, $0x38;
	[tilespmem:$0xC200] =	vst v63  }
0x142: {  	_ =	swait.ge [sflag:s8], $0x6000  }
0x143: {  	[sflag:s8] =	ssyncset.done $0x0  }
0x144: {  	[sflag:s8] =	ssyncadd.s32 $0xFFFFA000  }
0x145: {  	v12 =	vld.idx.msk [tilespmem:v41+s5+$0x0], $0xffff  }
0x146: {  	v13 =	vor.u32 s12, v11;
	_ =	sdelay $0x3  }
0x147: {  	[tilespmem:$0xC080] =	vst v12  }
0x148: {  	v12 =	vld.idx.msk [tilespmem:v13+s5+$0x0], $0xffff  }
0x149: {  	v42 =	vor.u32 s12, v9;
	_ =	sdelay $0x3  }
0x14a: {  	[tilespmem:$0xC090] =	vst v12  }
0x14b: {  	v12 =	vld.idx.msk [tilespmem:v42+s5+$0x0], $0xffff  }
0x14c: {  	v43 =	vor.u32 s12, v10;
	_ =	sdelay $0x3  }
0x14d: {  	[tilespmem:$0xC0A0] =	vst v12  }
0x14e: {  	v12 =	vld.idx.msk [tilespmem:v43+s5+$0x0], $0xffff  }
0x14f: {  	v44 =	vor.u32 s12, v8;
	_ =	sdelay $0x3  }
0x150: {  	[tilespmem:$0xC0B0] =	vst v12  }
0x151: {  	v12 =	vld.idx.msk [tilespmem:v44+s5+$0x0], $0xffff  }
0x152: {  	v45 =	vor.u32 s12, v6;
	_ =	sdelay $0x3  }
0x153: {  	[tilespmem:$0xC0C0] =	vst v12  }
0x154: {  	v12 =	vld.idx.msk [tilespmem:v45+s5+$0x0], $0xffff  }
0x155: {  	v46 =	vor.u32 s12, v5;
	_ =	sdelay $0x3  }
0x156: {  	[tilespmem:$0xC0D0] =	vst v12  }
0x157: {  	v12 =	vld.idx.msk [tilespmem:v46+s5+$0x0], $0xffff  }
0x158: {  	v47 =	vor.u32 s12, v4;
	_ =	sdelay $0x3  }
0x159: {  	[tilespmem:$0xC0E0] =	vst v12  }
0x15a: {  	v12 =	vld.idx.msk [tilespmem:v47+s5+$0x0], $0xffff  }
0x15b: {  	v48 =	vor.u32 s12, v2;
	_ =	sdelay $0x3  }
0x15c: {  	[tilespmem:$0xC0F0] =	vst v12  }
0x15d: {  	v12 =	vld.idx.msk [tilespmem:v48+s5+$0x0], $0xffff  }
0x15e: {  	v49 =	vor.u32 s12, v3;
	_ =	sdelay $0x3  }
0x15f: {  	[tilespmem:$0xC100] =	vst v12  }
0x160: {  	v12 =	vld.idx.msk [tilespmem:v49+s5+$0x0], $0xffff  }
0x161: {  	v50 =	vor.u32 s12, v1;
	_ =	sdelay $0x3  }
0x162: {  	[tilespmem:$0xC110] =	vst v12  }
0x163: {  	v12 =	vld.idx.msk [tilespmem:v50+s5+$0x0], $0xffff  }
0x164: {  	v51 =	vor.u32 s12, v0;
	_ =	sdelay $0x3  }
0x165: {  	[tilespmem:$0xC120] =	vst v12  }
0x166: {  	v12 =	vld.idx.msk [tilespmem:v51+s5+$0x0], $0xffff;
	_ =	sdelay $0x2  }
0x167: {  	s29 =	sand.u32 $0x7F, s23  }
0x168: {  	v52 =	vor.u32 s29, v7  }
0x169: {  	[tilespmem:$0xC130] =	vst v12  }
0x16a: {  	_ =	swait.ge [sflag:s7], $0x6000  }
0x16b: {  	[sflag:s7] =	ssyncset.done $0x0  }
0x16c: {  	[sflag:s7] =	ssyncadd.s32 $0xFFFFA000  }
0x16d: {  	v7 =	vld.idx.msk [tilespmem:v52+s4+$0x0], $0xffff  }
0x16e: {  	v53 =	vor.u32 s29, v11;
	_ =	sdelay $0x3  }
0x16f: {  	[tilespmem:$0xC140] =	vst v7  }
0x170: {  	v7 =	vld.idx.msk [tilespmem:v53+s4+$0x0], $0xffff  }
0x171: {  	v54 =	vor.u32 s29, v9;
	_ =	sdelay $0x3  }
0x172: {  	[tilespmem:$0xC150] =	vst v7  }
0x173: {  	v7 =	vld.idx.msk [tilespmem:v54+s4+$0x0], $0xffff  }
0x174: {  	v55 =	vor.u32 s29, v10;
	_ =	sdelay $0x3  }
0x175: {  	[tilespmem:$0xC160] =	vst v7  }
0x176: {  	v7 =	vld.idx.msk [tilespmem:v55+s4+$0x0], $0xffff  }
0x177: {  	v56 =	vor.u32 s29, v8;
	_ =	sdelay $0x3  }
0x178: {  	[tilespmem:$0xC170] =	vst v7  }
0x179: {  	v7 =	vld.idx.msk [tilespmem:v56+s4+$0x0], $0xffff  }
0x17a: {  	v57 =	vor.u32 s29, v6;
	_ =	sdelay $0x3  }
0x17b: {  	[tilespmem:$0xC180] =	vst v7  }
0x17c: {  	v6 =	vld.idx.msk [tilespmem:v57+s4+$0x0], $0xffff  }
0x17d: {  	v58 =	vor.u32 s29, v5;
	_ =	sdelay $0x3  }
0x17e: {  	[tilespmem:$0xC190] =	vst v6  }
0x17f: {  	v5 =	vld.idx.msk [tilespmem:v58+s4+$0x0], $0xffff  }
0x180: {  	v59 =	vor.u32 s29, v4;
	_ =	sdelay $0x3  }
0x181: {  	[tilespmem:$0xC1A0] =	vst v5  }
0x182: {  	v4 =	vld.idx.msk [tilespmem:v59+s4+$0x0], $0xffff  }
0x183: {  	v60 =	vor.u32 s29, v2;
	_ =	sdelay $0x3  }
0x184: {  	[tilespmem:$0xC1B0] =	vst v4  }
0x185: {  	v2 =	vld.idx.msk [tilespmem:v60+s4+$0x0], $0xffff  }
0x186: {  	v61 =	vor.u32 s29, v3;
	_ =	sdelay $0x3  }
0x187: {  	[tilespmem:$0xC1C0] =	vst v2  }
0x188: {  	v2 =	vld.idx.msk [tilespmem:v61+s4+$0x0], $0xffff  }
0x189: {  	v62 =	vor.u32 s29, v1;
	_ =	sdelay $0x3  }
0x18a: {  	[tilespmem:$0xC1D0] =	vst v2  }
0x18b: {  	v1 =	vld.idx.msk [tilespmem:v62+s4+$0x0], $0xffff  }
0x18c: {  	v63 =	vor.u32 s29, v0;
	_ =	sdelay $0x3  }
0x18d: {  	[tilespmem:$0xC1E0] =	vst v1  }
0x18e: {  	v0 =	vld.idx.msk [tilespmem:v63+s4+$0x0], $0xffff;
	_ =	sdelay $0x3  }
0x18f: {  	s30 =	rddreg [dreg:$0x6]  }
0x190: {  	s31 =	rddreg [dreg:$0x5];
	[tilespmem:$0xC1F0] =	vst v0  }
0x191: {  	[hbm4b:s31+s2] =	stream.linear.scatter [tilespmem:s30], [sflag:$0x3], $0x180, $0x38;
	[tilespmem:$0xC200] =	vst v63  }
0x192: {  	_ =	swait.ge [sflag:s3], $0x180  }
0x193: {  	[sflag:s3] =	ssyncset.done $0x0  }
0x194: {  	[sflag:s3] =	ssyncadd.s32 $0xFFFFFE80  }
0x195: {  	_ =	sfence.sel $0x180000  }
0x196: {  	[bflag:$0x0] =	sbarrier.arrive $0xFFFF  }
0x197: {  	p0 =	sne.s32 s1, $0x0;
	_ =	strace $0x90000047  }
0x198: {  	s0 =	sadd.s32 @!p0 $0x100000, s0;
	[bflag:$0x2] =	sbarrier.arrive $0xFFFF  }
0x199: {  	[sflag:s0] =	ssyncadd.tile.s32 @!p0 $0x1;
	_ =	shalt  }
.Lfunc_end2:
_tile_overlayer_lowered:
.L_overlay_start_2:
0x19a: {  	(tag) =	ssettag $0x2  }
0x19b: {  	s0 =	rddreg [dreg:$0x0];
	s2 =	stileid.u32  }
0x19c: {  	s1 =	rddreg [dreg:$0x1];
	p0 =	sne.s32 s2, $0x0  }
0x19d: {  	s3 =	rddreg [dreg:$0x2];
	[bflag:$0x3] =	sbarrier.arrive $0xFFFF;
	s2 =	simm.s32 @!p0 $0x1C03  }
0x19e: {  	[timem:s3], [sflag:s2] =	dma.local @!p0 [hbm:s0], s1  }
0x19f: {  	s0 =	simm.s32 @!p0 $0x3  }
0x1a0: {  	_ =	swait.ge @!p0 [sflag:s0], s1  }
0x1a1: {  	s1 =	ssub.s32 @!p0 $0x0, s1;
	[sflag:s0] =	ssyncset.done @!p0 $0x0  }
0x1a2: {  	[sflag:s0] =	ssyncadd.s32 @!p0 s1  }
0x1a3: {  	[bflag:$0x3] =	sbarrier.arrive $0xFFFF  }
0x1a4: {  	_ =	shalt  }

</sc_bundles>
